<compile_context>
chip_gen: v7x
topology: tpu7x:2x2x1
jax: 0.10.2.dev20260603
libtpu: 0.0.44.dev20260713+nightly
codegen_flags: <defaults>
</compile_context>

<pallas_src>
import jax
import jax.numpy as jnp
from jax import lax
from jax.experimental import pallas as pl
from jax.experimental.pallas import tpu as pltpu
from jax.experimental.pallas import tpu_sc as plsc

_D = 64
_NUM_ROWS = 1000000
_BATCH = 16384
_HIST = 50

_info = plsc.get_sparse_core_info()
_NC = _info.num_cores
_NS = _info.num_subcores
_NW = _NC * _NS
_BPW = _BATCH // _NW
_NBB = _BPW // 128
_NJ = _HIST * _NBB


def _body(idx_hbm, table_hbm, out_hbm, idx_v, idxt_v, rows0, rows1, t0, t1,
          sg0, sg1, sw0, sw1):
    wid = lax.axis_index("s") * _NC + lax.axis_index("c")
    rows = (rows0, rows1)
    tv = (t0, t1)
    sg = (sg0, sg1)
    sw = (sw0, sw1)
    iota = lax.iota(jnp.int32, 16)
    iota_h = iota * _HIST
    dtv = [(iota + 16 * q) // 8 for q in range(4)]
    dsv = [(iota + 16 * q) % 8 for q in range(4)]

    pltpu.sync_copy(idx_hbm.at[pl.ds(wid * _BPW * _HIST, _BPW * _HIST)], idx_v)

    def build(j, carry):
        h = j // _NBB
        bb = j % _NBB
        for g in range(8):
            src = iota_h + ((bb * 128 + g * 16) * _HIST + h)
            idxt_v[j, pl.ds(g * 16, 16)] = plsc.load_gather(idx_v, [src])
        return carry

    lax.fori_loop(0, _NJ, build, 0)

    def gather(j, p):
        return pltpu.make_async_copy(
            table_hbm.at[idxt_v.at[j]], rows[p], sg[p]
        )

    def write(j, p):
        h = j // _NBB
        btg = wid * _NBB + j % _NBB
        return pltpu.make_async_copy(
            tv[p].at[:, :, pl.ds(0, 128)],
            out_hbm.at[j // _NBB, :, wid * _NBB + j % _NBB, :, :], sw[p]
        )

    gather(0, 0).start()
    gather(1, 1).start()

    def step(jp, carry):
        for p in range(2):
            j = 2 * jp + p

            @pl.when(j >= 2)
            def _():
                write(j - 2, p).wait()

            gather(j, p).wait()

            def xp(i, blv):
                blvs = [blv + o for o in range(4)]
                vals = [
                    rows[p][4 * i + o, pl.ds(16 * q, 16)]
                    for o in range(4)
                    for q in range(4)
                ]
                for o in range(4):
                    for q in range(4):
                        plsc.store_scatter(
                            tv[p], [dtv[q], dsv[q], blvs[o]], vals[4 * o + q]
                        )
                return blv + 4

            lax.fori_loop(0, 32, xp, jnp.zeros((16,), jnp.int32))
            write(j, p).start()

            @pl.when(j + 2 < _NJ)
            def _():
                gather(j + 2, p).start()

        return carry

    lax.fori_loop(0, _NJ // 2, step, 0)
    write(_NJ - 2, 0).wait()
    write(_NJ - 1, 1).wait()


@jax.jit
def kernel(indices, embeddings):
    b, h = indices.shape
    idx_flat = indices.reshape(-1).astype(jnp.int32)
    table = jax.lax.optimization_barrier(
        embeddings.reshape(_NUM_ROWS // 2, 2 * _D)
    ).reshape(_NUM_ROWS, _D)
    mesh = plsc.VectorSubcoreMesh(core_axis_name="c", subcore_axis_name="s")
    out5 = pl.kernel(
        _body,
        mesh=mesh,
        out_type=jax.ShapeDtypeStruct((_HIST, 8, _BATCH // 128, 8, 128),
                                      jnp.float32),
        scratch_types=[
            pltpu.VMEM((_BPW * _HIST,), jnp.int32),
            pltpu.VMEM((_NJ, 128), jnp.int32),
            pltpu.VMEM((128, _D), jnp.float32),
            pltpu.VMEM((128, _D), jnp.float32),
            pltpu.VMEM((8, 8, 129), jnp.float32),
            pltpu.VMEM((8, 8, 129), jnp.float32),
            pltpu.SemaphoreType.DMA,
            pltpu.SemaphoreType.DMA,
            pltpu.SemaphoreType.DMA,
            pltpu.SemaphoreType.DMA,
        ],
        compiler_params=pltpu.CompilerParams(
            use_tc_tiling_on_sc=False, needs_layout_passes=False
        ),
    )(idx_flat, table)
    x = jnp.transpose(out5, (0, 1, 3, 2, 4)).reshape(_HIST, _D, _BATCH)
    return jnp.transpose(x, (2, 0, 1))

# --- scband reference (transcript-rebuilt; emitter-appended) ---
"""Pipeline reference for scband-point-embeddings-17626545783019 (READ-ONLY COPY).

The authoritative reference and input builder live on the scoring server;
editing this copy changes nothing except your own understanding.
"""

import jax, jax.numpy as jnp
import numpy as np

NUM_EMBEDDINGS = 1000000
EMBEDDING_DIM = 64
BATCH = 16384
HIST = 50

def setup_inputs(seed: int = 0) -> dict:
    key = jax.random.key(seed)
    k_idx, k_emb = jax.random.split(key)
    indices = jax.random.randint(k_idx, (BATCH, HIST), 0, NUM_EMBEDDINGS, dtype=jnp.int64)
    # init.uniform_ on nn.Embedding weight -> U[0,1)
    embeddings = jax.random.uniform(k_emb, (NUM_EMBEDDINGS, EMBEDDING_DIM), dtype=jnp.float32)
    return {"indices": indices, "embeddings": embeddings}

def reference(indices, embeddings):
    # PointEmbeddings.ind2emb(indices, matrix='emb'):
    # indices -> self.embeddings(indices), i.e. a row gather from the table.
    return jnp.take(embeddings, indices, axis=0)

if __name__ == "__main__":
    import jax
    _d = setup_inputs()
    print(jax.jit(kernel)(*tuple(_d.values())))

</pallas_src>

<mosaic_0001>
#map = affine_map<(d0, d1) -> (0)>
#map1 = affine_map<(d0, d1) -> (0, 0)>
#map2 = affine_map<(d0, d1) -> (0, 0, 0, 0, 0)>
module attributes {stable_mosaic.version = 14 : i64} {
  func.func @_body(%arg0: i32, %arg1: i32, %arg2: memref<819200xi32, #tpu.memory_space<hbm>>, %arg3: memref<1000000x64xf32, #tpu.memory_space<hbm>>, %arg4: memref<50x8x128x8x128xf32, #tpu.memory_space<hbm>>, %arg5: memref<25600xi32, #tpu.memory_space<vmem>>, %arg6: memref<200x128xi32, #tpu.memory_space<vmem>>, %arg7: memref<128x64xf32, #tpu.memory_space<vmem>>, %arg8: memref<128x64xf32, #tpu.memory_space<vmem>>, %arg9: memref<8x8x129xf32, #tpu.memory_space<vmem>>, %arg10: memref<8x8x129xf32, #tpu.memory_space<vmem>>, %arg11: memref<!tpu.dma_semaphore, #tpu.memory_space<semaphore_mem>>, %arg12: memref<!tpu.dma_semaphore, #tpu.memory_space<semaphore_mem>>, %arg13: memref<!tpu.dma_semaphore, #tpu.memory_space<semaphore_mem>>, %arg14: memref<!tpu.dma_semaphore, #tpu.memory_space<semaphore_mem>>) attributes {dimension_semantics = [#tpu.dimension_semantics<core_parallel>, #tpu.dimension_semantics<subcore_parallel>], iteration_bounds = array<i64: 2, 16>, scalar_prefetch = 0 : i64, scratch_operands = 10 : i64, tpu.core_type = #tpu.core_type<sc_vector_subcore>, window_params = [{transform_indices = #map}, {transform_indices = #map1}, {transform_indices = #map2}]} {
    %mul3A = arith.constant 2 : i32
    %mul3A_0 = arith.muli %arg1, %mul3A : i32
    %add3A = arith.addi %mul3A_0, %arg0 : i32
    %iota3A = tpu.iota {dimensions = array<i32: 0>} : vector<16xi32>
    %mul3A_1 = arith.constant 50 : i32
    %mul3A_2 = vector.broadcast %mul3A_1 : i32 to vector<16xi32>
    %mul3A_3 = arith.muli %iota3A, %mul3A_2 : vector<16xi32>
    %add3A_4 = arith.constant 0 : i32
    %add3A_5 = vector.broadcast %add3A_4 : i32 to vector<16xi32>
    %add3A_6 = arith.addi %iota3A, %add3A_5 : vector<16xi32>
    %jit3A = arith.constant 8 : i32
    %div3A = vector.broadcast %jit3A : i32 to vector<16xi32>
    %div3A_7 = arith.divsi %add3A_6, %div3A : vector<16xi32>
    %sign3A = arith.constant 0 : i32
    %sign3A_8 = vector.broadcast %sign3A : i32 to vector<16xi32>
    %sign3A_9 = arith.cmpi sgt, %add3A_6, %sign3A_8 : vector<16xi32>
    %sign3A_10 = arith.extui %sign3A_9 : vector<16xi1> to vector<16xi32>
    %sign3A_11 = arith.constant 0 : i32
    %sign3A_12 = vector.broadcast %sign3A_11 : i32 to vector<16xi32>
    %sign3A_13 = arith.cmpi slt, %add3A_6, %sign3A_12 : vector<16xi32>
    %sign3A_14 = arith.extui %sign3A_13 : vector<16xi1> to vector<16xi32>
    %sign3A_15 = arith.subi %sign3A_10, %sign3A_14 : vector<16xi32>
    %sign3A_16 = arith.constant 0 : i32
    %sign3A_17 = arith.cmpi sgt, %jit3A, %sign3A_16 : i32
    %sign3A_18 = arith.extui %sign3A_17 : i1 to i32
    %sign3A_19 = arith.constant 0 : i32
    %sign3A_20 = arith.cmpi slt, %jit3A, %sign3A_19 : i32
    %sign3A_21 = arith.extui %sign3A_20 : i1 to i32
    %sign3A_22 = arith.subi %sign3A_18, %sign3A_21 : i32
    %ne3A = vector.broadcast %sign3A_22 : i32 to vector<16xi32>
    %ne3A_23 = arith.cmpi ne, %sign3A_15, %ne3A : vector<16xi32>
    %rem3A = vector.broadcast %jit3A : i32 to vector<16xi32>
    %rem3A_24 = arith.remsi %add3A_6, %rem3A : vector<16xi32>
    %ne3A_25 = arith.constant 0 : i32
    %ne3A_26 = vector.broadcast %ne3A_25 : i32 to vector<16xi32>
    %ne3A_27 = arith.cmpi ne, %rem3A_24, %ne3A_26 : vector<16xi32>
    %and3A = arith.andi %ne3A_23, %ne3A_27 : vector<16xi1>
    %sub3A = arith.constant 1 : i32
    %sub3A_28 = vector.broadcast %sub3A : i32 to vector<16xi32>
    %sub3A_29 = arith.subi %div3A_7, %sub3A_28 : vector<16xi32>
    %select_n3A = arith.select %and3A, %sub3A_29, %div3A_7 : vector<16xi1>, vector<16xi32>
    %add3A_30 = arith.constant 16 : i32
    %add3A_31 = vector.broadcast %add3A_30 : i32 to vector<16xi32>
    %add3A_32 = arith.addi %iota3A, %add3A_31 : vector<16xi32>
    %jit3A_33 = arith.constant 8 : i32
    %div3A_34 = vector.broadcast %jit3A_33 : i32 to vector<16xi32>
    %div3A_35 = arith.divsi %add3A_32, %div3A_34 : vector<16xi32>
    %sign3A_36 = arith.constant 0 : i32
    %sign3A_37 = vector.broadcast %sign3A_36 : i32 to vector<16xi32>
    %sign3A_38 = arith.cmpi sgt, %add3A_32, %sign3A_37 : vector<16xi32>
    %sign3A_39 = arith.extui %sign3A_38 : vector<16xi1> to vector<16xi32>
    %sign3A_40 = arith.constant 0 : i32
    %sign3A_41 = vector.broadcast %sign3A_40 : i32 to vector<16xi32>
    %sign3A_42 = arith.cmpi slt, %add3A_32, %sign3A_41 : vector<16xi32>
    %sign3A_43 = arith.extui %sign3A_42 : vector<16xi1> to vector<16xi32>
    %sign3A_44 = arith.subi %sign3A_39, %sign3A_43 : vector<16xi32>
    %sign3A_45 = arith.constant 0 : i32
    %sign3A_46 = arith.cmpi sgt, %jit3A_33, %sign3A_45 : i32
    %sign3A_47 = arith.extui %sign3A_46 : i1 to i32
    %sign3A_48 = arith.constant 0 : i32
    %sign3A_49 = arith.cmpi slt, %jit3A_33, %sign3A_48 : i32
    %sign3A_50 = arith.extui %sign3A_49 : i1 to i32
    %sign3A_51 = arith.subi %sign3A_47, %sign3A_50 : i32
    %ne3A_52 = vector.broadcast %sign3A_51 : i32 to vector<16xi32>
    %ne3A_53 = arith.cmpi ne, %sign3A_44, %ne3A_52 : vector<16xi32>
    %rem3A_54 = vector.broadcast %jit3A_33 : i32 to vector<16xi32>
    %rem3A_55 = arith.remsi %add3A_32, %rem3A_54 : vector<16xi32>
    %ne3A_56 = arith.constant 0 : i32
    %ne3A_57 = vector.broadcast %ne3A_56 : i32 to vector<16xi32>
    %ne3A_58 = arith.cmpi ne, %rem3A_55, %ne3A_57 : vector<16xi32>
    %and3A_59 = arith.andi %ne3A_53, %ne3A_58 : vector<16xi1>
    %sub3A_60 = arith.constant 1 : i32
    %sub3A_61 = vector.broadcast %sub3A_60 : i32 to vector<16xi32>
    %sub3A_62 = arith.subi %div3A_35, %sub3A_61 : vector<16xi32>
    %select_n3A_63 = arith.select %and3A_59, %sub3A_62, %div3A_35 : vector<16xi1>, vector<16xi32>
    %add3A_64 = arith.constant 32 : i32
    %add3A_65 = vector.broadcast %add3A_64 : i32 to vector<16xi32>
    %add3A_66 = arith.addi %iota3A, %add3A_65 : vector<16xi32>
    %jit3A_67 = arith.constant 8 : i32
    %div3A_68 = vector.broadcast %jit3A_67 : i32 to vector<16xi32>
    %div3A_69 = arith.divsi %add3A_66, %div3A_68 : vector<16xi32>
    %sign3A_70 = arith.constant 0 : i32
    %sign3A_71 = vector.broadcast %sign3A_70 : i32 to vector<16xi32>
    %sign3A_72 = arith.cmpi sgt, %add3A_66, %sign3A_71 : vector<16xi32>
    %sign3A_73 = arith.extui %sign3A_72 : vector<16xi1> to vector<16xi32>
    %sign3A_74 = arith.constant 0 : i32
    %sign3A_75 = vector.broadcast %sign3A_74 : i32 to vector<16xi32>
    %sign3A_76 = arith.cmpi slt, %add3A_66, %sign3A_75 : vector<16xi32>
    %sign3A_77 = arith.extui %sign3A_76 : vector<16xi1> to vector<16xi32>
    %sign3A_78 = arith.subi %sign3A_73, %sign3A_77 : vector<16xi32>
    %sign3A_79 = arith.constant 0 : i32
    %sign3A_80 = arith.cmpi sgt, %jit3A_67, %sign3A_79 : i32
    %sign3A_81 = arith.extui %sign3A_80 : i1 to i32
    %sign3A_82 = arith.constant 0 : i32
    %sign3A_83 = arith.cmpi slt, %jit3A_67, %sign3A_82 : i32
    %sign3A_84 = arith.extui %sign3A_83 : i1 to i32
    %sign3A_85 = arith.subi %sign3A_81, %sign3A_84 : i32
    %ne3A_86 = vector.broadcast %sign3A_85 : i32 to vector<16xi32>
    %ne3A_87 = arith.cmpi ne, %sign3A_78, %ne3A_86 : vector<16xi32>
    %rem3A_88 = vector.broadcast %jit3A_67 : i32 to vector<16xi32>
    %rem3A_89 = arith.remsi %add3A_66, %rem3A_88 : vector<16xi32>
    %ne3A_90 = arith.constant 0 : i32
    %ne3A_91 = vector.broadcast %ne3A_90 : i32 to vector<16xi32>
    %ne3A_92 = arith.cmpi ne, %rem3A_89, %ne3A_91 : vector<16xi32>
    %and3A_93 = arith.andi %ne3A_87, %ne3A_92 : vector<16xi1>
    %sub3A_94 = arith.constant 1 : i32
    %sub3A_95 = vector.broadcast %sub3A_94 : i32 to vector<16xi32>
    %sub3A_96 = arith.subi %div3A_69, %sub3A_95 : vector<16xi32>
    %select_n3A_97 = arith.select %and3A_93, %sub3A_96, %div3A_69 : vector<16xi1>, vector<16xi32>
    %add3A_98 = arith.constant 48 : i32
    %add3A_99 = vector.broadcast %add3A_98 : i32 to vector<16xi32>
    %add3A_100 = arith.addi %iota3A, %add3A_99 : vector<16xi32>
    %jit3A_101 = arith.constant 8 : i32
    %div3A_102 = vector.broadcast %jit3A_101 : i32 to vector<16xi32>
    %div3A_103 = arith.divsi %add3A_100, %div3A_102 : vector<16xi32>
    %sign3A_104 = arith.constant 0 : i32
    %sign3A_105 = vector.broadcast %sign3A_104 : i32 to vector<16xi32>
    %sign3A_106 = arith.cmpi sgt, %add3A_100, %sign3A_105 : vector<16xi32>
    %sign3A_107 = arith.extui %sign3A_106 : vector<16xi1> to vector<16xi32>
    %sign3A_108 = arith.constant 0 : i32
    %sign3A_109 = vector.broadcast %sign3A_108 : i32 to vector<16xi32>
    %sign3A_110 = arith.cmpi slt, %add3A_100, %sign3A_109 : vector<16xi32>
    %sign3A_111 = arith.extui %sign3A_110 : vector<16xi1> to vector<16xi32>
    %sign3A_112 = arith.subi %sign3A_107, %sign3A_111 : vector<16xi32>
    %sign3A_113 = arith.constant 0 : i32
    %sign3A_114 = arith.cmpi sgt, %jit3A_101, %sign3A_113 : i32
    %sign3A_115 = arith.extui %sign3A_114 : i1 to i32
    %sign3A_116 = arith.constant 0 : i32
    %sign3A_117 = arith.cmpi slt, %jit3A_101, %sign3A_116 : i32
    %sign3A_118 = arith.extui %sign3A_117 : i1 to i32
    %sign3A_119 = arith.subi %sign3A_115, %sign3A_118 : i32
    %ne3A_120 = vector.broadcast %sign3A_119 : i32 to vector<16xi32>
    %ne3A_121 = arith.cmpi ne, %sign3A_112, %ne3A_120 : vector<16xi32>
    %rem3A_122 = vector.broadcast %jit3A_101 : i32 to vector<16xi32>
    %rem3A_123 = arith.remsi %add3A_100, %rem3A_122 : vector<16xi32>
    %ne3A_124 = arith.constant 0 : i32
    %ne3A_125 = vector.broadcast %ne3A_124 : i32 to vector<16xi32>
    %ne3A_126 = arith.cmpi ne, %rem3A_123, %ne3A_125 : vector<16xi32>
    %and3A_127 = arith.andi %ne3A_121, %ne3A_126 : vector<16xi1>
    %sub3A_128 = arith.constant 1 : i32
    %sub3A_129 = vector.broadcast %sub3A_128 : i32 to vector<16xi32>
    %sub3A_130 = arith.subi %div3A_103, %sub3A_129 : vector<16xi32>
    %select_n3A_131 = arith.select %and3A_127, %sub3A_130, %div3A_103 : vector<16xi1>, vector<16xi32>
    %add3A_132 = arith.constant 0 : i32
    %add3A_133 = vector.broadcast %add3A_132 : i32 to vector<16xi32>
    %add3A_134 = arith.addi %iota3A, %add3A_133 : vector<16xi32>
    %jit3A_135 = arith.constant 8 : i32
    %eq3A = arith.constant 0 : i32
    %eq3A_136 = arith.cmpi eq, %jit3A_135, %eq3A : i32
    %jit3A_137 = arith.constant 1 : i32
    %select_n3A_138 = arith.select %eq3A_136, %jit3A_137, %jit3A_135 : i32
    %rem3A_139 = vector.broadcast %select_n3A_138 : i32 to vector<16xi32>
    %rem3A_140 = arith.remsi %add3A_134, %rem3A_139 : vector<16xi32>
    %ne3A_141 = arith.constant 0 : i32
    %ne3A_142 = vector.broadcast %ne3A_141 : i32 to vector<16xi32>
    %ne3A_143 = arith.cmpi ne, %rem3A_140, %ne3A_142 : vector<16xi32>
    %lt3A = arith.constant 0 : i32
    %lt3A_144 = vector.broadcast %lt3A : i32 to vector<16xi32>
    %lt3A_145 = arith.cmpi slt, %rem3A_140, %lt3A_144 : vector<16xi32>
    %lt3A_146 = arith.constant 0 : i32
    %lt3A_147 = arith.cmpi slt, %select_n3A_138, %lt3A_146 : i32
    %ne3A_148 = vector.broadcast %lt3A_147 : i1 to vector<16xi1>
    %ne3A_149 = vector.broadcast %ne3A_148 : vector<16xi1> to vector<16xi1>
    %ne3A_150 = arith.xori %lt3A_145, %ne3A_149 : vector<16xi1>
    %and3A_151 = arith.andi %ne3A_150, %ne3A_143 : vector<16xi1>
    %add3A_152 = vector.broadcast %select_n3A_138 : i32 to vector<16xi32>
    %add3A_153 = arith.addi %rem3A_140, %add3A_152 : vector<16xi32>
    %select_n3A_154 = arith.select %and3A_151, %add3A_153, %rem3A_140 : vector<16xi1>, vector<16xi32>
    %add3A_155 = arith.constant 16 : i32
    %add3A_156 = vector.broadcast %add3A_155 : i32 to vector<16xi32>
    %add3A_157 = arith.addi %iota3A, %add3A_156 : vector<16xi32>
    %jit3A_158 = arith.constant 8 : i32
    %eq3A_159 = arith.constant 0 : i32
    %eq3A_160 = arith.cmpi eq, %jit3A_158, %eq3A_159 : i32
    %jit3A_161 = arith.constant 1 : i32
    %select_n3A_162 = arith.select %eq3A_160, %jit3A_161, %jit3A_158 : i32
    %rem3A_163 = vector.broadcast %select_n3A_162 : i32 to vector<16xi32>
    %rem3A_164 = arith.remsi %add3A_157, %rem3A_163 : vector<16xi32>
    %ne3A_165 = arith.constant 0 : i32
    %ne3A_166 = vector.broadcast %ne3A_165 : i32 to vector<16xi32>
    %ne3A_167 = arith.cmpi ne, %rem3A_164, %ne3A_166 : vector<16xi32>
    %lt3A_168 = arith.constant 0 : i32
    %lt3A_169 = vector.broadcast %lt3A_168 : i32 to vector<16xi32>
    %lt3A_170 = arith.cmpi slt, %rem3A_164, %lt3A_169 : vector<16xi32>
    %lt3A_171 = arith.constant 0 : i32
    %lt3A_172 = arith.cmpi slt, %select_n3A_162, %lt3A_171 : i32
    %ne3A_173 = vector.broadcast %lt3A_172 : i1 to vector<16xi1>
    %ne3A_174 = vector.broadcast %ne3A_173 : vector<16xi1> to vector<16xi1>
    %ne3A_175 = arith.xori %lt3A_170, %ne3A_174 : vector<16xi1>
    %and3A_176 = arith.andi %ne3A_175, %ne3A_167 : vector<16xi1>
    %add3A_177 = vector.broadcast %select_n3A_162 : i32 to vector<16xi32>
    %add3A_178 = arith.addi %rem3A_164, %add3A_177 : vector<16xi32>
    %select_n3A_179 = arith.select %and3A_176, %add3A_178, %rem3A_164 : vector<16xi1>, vector<16xi32>
    %add3A_180 = arith.constant 32 : i32
    %add3A_181 = vector.broadcast %add3A_180 : i32 to vector<16xi32>
    %add3A_182 = arith.addi %iota3A, %add3A_181 : vector<16xi32>
    %jit3A_183 = arith.constant 8 : i32
    %eq3A_184 = arith.constant 0 : i32
    %eq3A_185 = arith.cmpi eq, %jit3A_183, %eq3A_184 : i32
    %jit3A_186 = arith.constant 1 : i32
    %select_n3A_187 = arith.select %eq3A_185, %jit3A_186, %jit3A_183 : i32
    %rem3A_188 = vector.broadcast %select_n3A_187 : i32 to vector<16xi32>
    %rem3A_189 = arith.remsi %add3A_182, %rem3A_188 : vector<16xi32>
    %ne3A_190 = arith.constant 0 : i32
    %ne3A_191 = vector.broadcast %ne3A_190 : i32 to vector<16xi32>
    %ne3A_192 = arith.cmpi ne, %rem3A_189, %ne3A_191 : vector<16xi32>
    %lt3A_193 = arith.constant 0 : i32
    %lt3A_194 = vector.broadcast %lt3A_193 : i32 to vector<16xi32>
    %lt3A_195 = arith.cmpi slt, %rem3A_189, %lt3A_194 : vector<16xi32>
    %lt3A_196 = arith.constant 0 : i32
    %lt3A_197 = arith.cmpi slt, %select_n3A_187, %lt3A_196 : i32
    %ne3A_198 = vector.broadcast %lt3A_197 : i1 to vector<16xi1>
    %ne3A_199 = vector.broadcast %ne3A_198 : vector<16xi1> to vector<16xi1>
    %ne3A_200 = arith.xori %lt3A_195, %ne3A_199 : vector<16xi1>
    %and3A_201 = arith.andi %ne3A_200, %ne3A_192 : vector<16xi1>
    %add3A_202 = vector.broadcast %select_n3A_187 : i32 to vector<16xi32>
    %add3A_203 = arith.addi %rem3A_189, %add3A_202 : vector<16xi32>
    %select_n3A_204 = arith.select %and3A_201, %add3A_203, %rem3A_189 : vector<16xi1>, vector<16xi32>
    %add3A_205 = arith.constant 48 : i32
    %add3A_206 = vector.broadcast %add3A_205 : i32 to vector<16xi32>
    %add3A_207 = arith.addi %iota3A, %add3A_206 : vector<16xi32>
    %jit3A_208 = arith.constant 8 : i32
    %eq3A_209 = arith.constant 0 : i32
    %eq3A_210 = arith.cmpi eq, %jit3A_208, %eq3A_209 : i32
    %jit3A_211 = arith.constant 1 : i32
    %select_n3A_212 = arith.select %eq3A_210, %jit3A_211, %jit3A_208 : i32
    %rem3A_213 = vector.broadcast %select_n3A_212 : i32 to vector<16xi32>
    %rem3A_214 = arith.remsi %add3A_207, %rem3A_213 : vector<16xi32>
    %ne3A_215 = arith.constant 0 : i32
    %ne3A_216 = vector.broadcast %ne3A_215 : i32 to vector<16xi32>
    %ne3A_217 = arith.cmpi ne, %rem3A_214, %ne3A_216 : vector<16xi32>
    %lt3A_218 = arith.constant 0 : i32
    %lt3A_219 = vector.broadcast %lt3A_218 : i32 to vector<16xi32>
    %lt3A_220 = arith.cmpi slt, %rem3A_214, %lt3A_219 : vector<16xi32>
    %lt3A_221 = arith.constant 0 : i32
    %lt3A_222 = arith.cmpi slt, %select_n3A_212, %lt3A_221 : i32
    %ne3A_223 = vector.broadcast %lt3A_222 : i1 to vector<16xi1>
    %ne3A_224 = vector.broadcast %ne3A_223 : vector<16xi1> to vector<16xi1>
    %ne3A_225 = arith.xori %lt3A_220, %ne3A_224 : vector<16xi1>
    %and3A_226 = arith.andi %ne3A_225, %ne3A_217 : vector<16xi1>
    %add3A_227 = vector.broadcast %select_n3A_212 : i32 to vector<16xi32>
    %add3A_228 = arith.addi %rem3A_214, %add3A_227 : vector<16xi32>
    %select_n3A_229 = arith.select %and3A_226, %add3A_228, %rem3A_214 : vector<16xi1>, vector<16xi32>
    %mul3A_230 = arith.constant 512 : i32
    %mul3A_231 = arith.muli %add3A, %mul3A_230 : i32
    %mul3A_232 = arith.constant 50 : i32
    %mul3A_233 = arith.muli %mul3A_231, %mul3A_232 : i32
    "tpu.region"() ({
      %run_scoped3A = tpu.sem_alloc : memref<!tpu.dma_semaphore, #tpu.memory_space<semaphore_mem>>
      %dma_start3A_311 = tpu.memref_slice %arg2[%mul3A_233] : memref<819200xi32, #tpu.memory_space<hbm>> -> memref<25600xi32, #tpu.memory_space<hbm>>
      %dma_start3A_312 = tpu.memref_slice %arg2[%mul3A_233] : memref<819200xi32, #tpu.memory_space<hbm>> -> memref<25600xi32, #tpu.memory_space<hbm>>
      tpu.enqueue_dma source(%dma_start3A_312 : memref<25600xi32, #tpu.memory_space<hbm>>) target(%arg5 : memref<25600xi32, #tpu.memory_space<vmem>>) target_semaphore(%run_scoped3A : memref<!tpu.dma_semaphore, #tpu.memory_space<semaphore_mem>>)
      %dma_wait3A_313 = tpu.memref_slice %arg2[%mul3A_233] : memref<819200xi32, #tpu.memory_space<hbm>> -> memref<25600xi32, #tpu.memory_space<hbm>>
      %dma_wait3A_314 = tpu.memref_slice %arg2[%mul3A_233] : memref<819200xi32, #tpu.memory_space<hbm>> -> memref<25600xi32, #tpu.memory_space<hbm>>
      tpu.wait_dma2 semaphore(%run_scoped3A : memref<!tpu.dma_semaphore, #tpu.memory_space<semaphore_mem>>) src(%dma_wait3A_314 : memref<25600xi32, #tpu.memory_space<hbm>>) dst(%arg5 : memref<25600xi32, #tpu.memory_space<vmem>>)
      tpu.yield
    }) : () -> ()
    %scan3A = arith.constant 0 : i32
    %scan3A_234 = arith.constant 0 : i32
    %scan3A_235 = arith.constant 200 : i32
    %scan3A_236 = arith.addi %scan3A_234, %scan3A_235 : i32
    %scan3A_237 = arith.constant 1 : i32
    scf.for %scan3A_311 = %scan3A_234 to %scan3A_236 step %scan3A_237  : i32 {
      %jit3A_312 = arith.constant 4 : i32
      %div3A_313 = arith.divsi %scan3A_311, %jit3A_312 : i32
      %sign3A_314 = arith.constant 0 : i32
      %sign3A_315 = arith.cmpi sgt, %scan3A_311, %sign3A_314 : i32
      %sign3A_316 = arith.extui %sign3A_315 : i1 to i32
      %sign3A_317 = arith.constant 0 : i32
      %sign3A_318 = arith.cmpi slt, %scan3A_311, %sign3A_317 : i32
      %sign3A_319 = arith.extui %sign3A_318 : i1 to i32
      %sign3A_320 = arith.subi %sign3A_316, %sign3A_319 : i32
      %sign3A_321 = arith.constant 0 : i32
      %sign3A_322 = arith.cmpi sgt, %jit3A_312, %sign3A_321 : i32
      %sign3A_323 = arith.extui %sign3A_322 : i1 to i32
      %sign3A_324 = arith.constant 0 : i32
      %sign3A_325 = arith.cmpi slt, %jit3A_312, %sign3A_324 : i32
      %sign3A_326 = arith.extui %sign3A_325 : i1 to i32
      %sign3A_327 = arith.subi %sign3A_323, %sign3A_326 : i32
      %ne3A_328 = arith.cmpi ne, %sign3A_320, %sign3A_327 : i32
      %rem3A_329 = arith.remsi %scan3A_311, %jit3A_312 : i32
      %ne3A_330 = arith.constant 0 : i32
      %ne3A_331 = arith.cmpi ne, %rem3A_329, %ne3A_330 : i32
      %and3A_332 = arith.andi %ne3A_328, %ne3A_331 : i1
      %sub3A_333 = arith.constant 1 : i32
      %sub3A_334 = arith.subi %div3A_313, %sub3A_333 : i32
      %select_n3A_335 = arith.select %and3A_332, %sub3A_334, %div3A_313 : i32
      %jit3A_336 = arith.constant 4 : i32
      %eq3A_337 = arith.constant 0 : i32
      %eq3A_338 = arith.cmpi eq, %jit3A_336, %eq3A_337 : i32
      %jit3A_339 = arith.constant 1 : i32
      %select_n3A_340 = arith.select %eq3A_338, %jit3A_339, %jit3A_336 : i32
      %rem3A_341 = arith.remsi %scan3A_311, %select_n3A_340 : i32
      %ne3A_342 = arith.constant 0 : i32
      %ne3A_343 = arith.cmpi ne, %rem3A_341, %ne3A_342 : i32
      %lt3A_344 = arith.constant 0 : i32
      %lt3A_345 = arith.cmpi slt, %rem3A_341, %lt3A_344 : i32
      %lt3A_346 = arith.constant 0 : i32
      %lt3A_347 = arith.cmpi slt, %select_n3A_340, %lt3A_346 : i32
      %ne3A_348 = arith.xori %lt3A_345, %lt3A_347 : i1
      %and3A_349 = arith.andi %ne3A_348, %ne3A_343 : i1
      %add3A_350 = arith.addi %rem3A_341, %select_n3A_340 : i32
      %select_n3A_351 = arith.select %and3A_349, %add3A_350, %rem3A_341 : i32
      %mul3A_352 = arith.constant 128 : i32
      %mul3A_353 = arith.muli %select_n3A_351, %mul3A_352 : i32
      %add3A_354 = arith.constant 0 : i32
      %add3A_355 = arith.addi %mul3A_353, %add3A_354 : i32
      %mul3A_356 = arith.constant 50 : i32
      %mul3A_357 = arith.muli %add3A_355, %mul3A_356 : i32
      %add3A_358 = arith.addi %mul3A_357, %select_n3A_335 : i32
      %add3A_359 = vector.broadcast %add3A_358 : i32 to vector<16xi32>
      %add3A_360 = arith.addi %mul3A_3, %add3A_359 : vector<16xi32>
      %gather3A = tpu.vector_load_idx %arg5[%add3A_360] : memref<25600xi32, #tpu.memory_space<vmem>>[vector<16xi32>], vector<16xi32>,
      %swap3A = arith.index_cast %scan3A_311 : i32 to index
      %swap3A_361 = arith.constant 0 : index
      %swap3A_362 = tpu.vector_load %arg6[%swap3A, %swap3A_361] {strides = array<i32>} : memref<200x128xi32, #tpu.memory_space<vmem>>, vector<16xi32>,
      tpu.vector_store %arg6[%swap3A, %swap3A_361], %gather3A {strides = array<i32>} : memref<200x128xi32, #tpu.memory_space<vmem>>, vector<16xi32>,
      %mul3A_363 = arith.constant 128 : i32
      %mul3A_364 = arith.muli %select_n3A_351, %mul3A_363 : i32
      %add3A_365 = arith.constant 16 : i32
      %add3A_366 = arith.addi %mul3A_364, %add3A_365 : i32
      %mul3A_367 = arith.constant 50 : i32
      %mul3A_368 = arith.muli %add3A_366, %mul3A_367 : i32
      %add3A_369 = arith.addi %mul3A_368, %select_n3A_335 : i32
      %add3A_370 = vector.broadcast %add3A_369 : i32 to vector<16xi32>
      %add3A_371 = arith.addi %mul3A_3, %add3A_370 : vector<16xi32>
      %gather3A_372 = tpu.vector_load_idx %arg5[%add3A_371] : memref<25600xi32, #tpu.memory_space<vmem>>[vector<16xi32>], vector<16xi32>,
      %swap3A_373 = arith.index_cast %scan3A_311 : i32 to index
      %swap3A_374 = arith.constant 16 : index
      %swap3A_375 = tpu.vector_load %arg6[%swap3A_373, %swap3A_374] {strides = array<i32>} : memref<200x128xi32, #tpu.memory_space<vmem>>, vector<16xi32>,
      tpu.vector_store %arg6[%swap3A_373, %swap3A_374], %gather3A_372 {strides = array<i32>} : memref<200x128xi32, #tpu.memory_space<vmem>>, vector<16xi32>,
      %mul3A_376 = arith.constant 128 : i32
      %mul3A_377 = arith.muli %select_n3A_351, %mul3A_376 : i32
      %add3A_378 = arith.constant 32 : i32
      %add3A_379 = arith.addi %mul3A_377, %add3A_378 : i32
      %mul3A_380 = arith.constant 50 : i32
      %mul3A_381 = arith.muli %add3A_379, %mul3A_380 : i32
      %add3A_382 = arith.addi %mul3A_381, %select_n3A_335 : i32
      %add3A_383 = vector.broadcast %add3A_382 : i32 to vector<16xi32>
      %add3A_384 = arith.addi %mul3A_3, %add3A_383 : vector<16xi32>
      %gather3A_385 = tpu.vector_load_idx %arg5[%add3A_384] : memref<25600xi32, #tpu.memory_space<vmem>>[vector<16xi32>], vector<16xi32>,
      %swap3A_386 = arith.index_cast %scan3A_311 : i32 to index
      %swap3A_387 = arith.constant 32 : index
      %swap3A_388 = tpu.vector_load %arg6[%swap3A_386, %swap3A_387] {strides = array<i32>} : memref<200x128xi32, #tpu.memory_space<vmem>>, vector<16xi32>,
      tpu.vector_store %arg6[%swap3A_386, %swap3A_387], %gather3A_385 {strides = array<i32>} : memref<200x128xi32, #tpu.memory_space<vmem>>, vector<16xi32>,
      %mul3A_389 = arith.constant 128 : i32
      %mul3A_390 = arith.muli %select_n3A_351, %mul3A_389 : i32
      %add3A_391 = arith.constant 48 : i32
      %add3A_392 = arith.addi %mul3A_390, %add3A_391 : i32
      %mul3A_393 = arith.constant 50 : i32
      %mul3A_394 = arith.muli %add3A_392, %mul3A_393 : i32
      %add3A_395 = arith.addi %mul3A_394, %select_n3A_335 : i32
      %add3A_396 = vector.broadcast %add3A_395 : i32 to vector<16xi32>
      %add3A_397 = arith.addi %mul3A_3, %add3A_396 : vector<16xi32>
      %gather3A_398 = tpu.vector_load_idx %arg5[%add3A_397] : memref<25600xi32, #tpu.memory_space<vmem>>[vector<16xi32>], vector<16xi32>,
      %swap3A_399 = arith.index_cast %scan3A_311 : i32 to index
      %swap3A_400 = arith.constant 48 : index
      %swap3A_401 = tpu.vector_load %arg6[%swap3A_399, %swap3A_400] {strides = array<i32>} : memref<200x128xi32, #tpu.memory_space<vmem>>, vector<16xi32>,
      tpu.vector_store %arg6[%swap3A_399, %swap3A_400], %gather3A_398 {strides = array<i32>} : memref<200x128xi32, #tpu.memory_space<vmem>>, vector<16xi32>,
      %mul3A_402 = arith.constant 128 : i32
      %mul3A_403 = arith.muli %select_n3A_351, %mul3A_402 : i32
      %add3A_404 = arith.constant 64 : i32
      %add3A_405 = arith.addi %mul3A_403, %add3A_404 : i32
      %mul3A_406 = arith.constant 50 : i32
      %mul3A_407 = arith.muli %add3A_405, %mul3A_406 : i32
      %add3A_408 = arith.addi %mul3A_407, %select_n3A_335 : i32
      %add3A_409 = vector.broadcast %add3A_408 : i32 to vector<16xi32>
      %add3A_410 = arith.addi %mul3A_3, %add3A_409 : vector<16xi32>
      %gather3A_411 = tpu.vector_load_idx %arg5[%add3A_410] : memref<25600xi32, #tpu.memory_space<vmem>>[vector<16xi32>], vector<16xi32>,
      %swap3A_412 = arith.index_cast %scan3A_311 : i32 to index
      %swap3A_413 = arith.constant 64 : index
      %swap3A_414 = tpu.vector_load %arg6[%swap3A_412, %swap3A_413] {strides = array<i32>} : memref<200x128xi32, #tpu.memory_space<vmem>>, vector<16xi32>,
      tpu.vector_store %arg6[%swap3A_412, %swap3A_413], %gather3A_411 {strides = array<i32>} : memref<200x128xi32, #tpu.memory_space<vmem>>, vector<16xi32>,
      %mul3A_415 = arith.constant 128 : i32
      %mul3A_416 = arith.muli %select_n3A_351, %mul3A_415 : i32
      %add3A_417 = arith.constant 80 : i32
      %add3A_418 = arith.addi %mul3A_416, %add3A_417 : i32
      %mul3A_419 = arith.constant 50 : i32
      %mul3A_420 = arith.muli %add3A_418, %mul3A_419 : i32
      %add3A_421 = arith.addi %mul3A_420, %select_n3A_335 : i32
      %add3A_422 = vector.broadcast %add3A_421 : i32 to vector<16xi32>
      %add3A_423 = arith.addi %mul3A_3, %add3A_422 : vector<16xi32>
      %gather3A_424 = tpu.vector_load_idx %arg5[%add3A_423] : memref<25600xi32, #tpu.memory_space<vmem>>[vector<16xi32>], vector<16xi32>,
      %swap3A_425 = arith.index_cast %scan3A_311 : i32 to index
      %swap3A_426 = arith.constant 80 : index
      %swap3A_427 = tpu.vector_load %arg6[%swap3A_425, %swap3A_426] {strides = array<i32>} : memref<200x128xi32, #tpu.memory_space<vmem>>, vector<16xi32>,
      tpu.vector_store %arg6[%swap3A_425, %swap3A_426], %gather3A_424 {strides = array<i32>} : memref<200x128xi32, #tpu.memory_space<vmem>>, vector<16xi32>,
      %mul3A_428 = arith.constant 128 : i32
      %mul3A_429 = arith.muli %select_n3A_351, %mul3A_428 : i32
      %add3A_430 = arith.constant 96 : i32
      %add3A_431 = arith.addi %mul3A_429, %add3A_430 : i32
      %mul3A_432 = arith.constant 50 : i32
      %mul3A_433 = arith.muli %add3A_431, %mul3A_432 : i32
      %add3A_434 = arith.addi %mul3A_433, %select_n3A_335 : i32
      %add3A_435 = vector.broadcast %add3A_434 : i32 to vector<16xi32>
      %add3A_436 = arith.addi %mul3A_3, %add3A_435 : vector<16xi32>
      %gather3A_437 = tpu.vector_load_idx %arg5[%add3A_436] : memref<25600xi32, #tpu.memory_space<vmem>>[vector<16xi32>], vector<16xi32>,
      %swap3A_438 = arith.index_cast %scan3A_311 : i32 to index
      %swap3A_439 = arith.constant 96 : index
      %swap3A_440 = tpu.vector_load %arg6[%swap3A_438, %swap3A_439] {strides = array<i32>} : memref<200x128xi32, #tpu.memory_space<vmem>>, vector<16xi32>,
      tpu.vector_store %arg6[%swap3A_438, %swap3A_439], %gather3A_437 {strides = array<i32>} : memref<200x128xi32, #tpu.memory_space<vmem>>, vector<16xi32>,
      %mul3A_441 = arith.constant 128 : i32
      %mul3A_442 = arith.muli %select_n3A_351, %mul3A_441 : i32
      %add3A_443 = arith.constant 112 : i32
      %add3A_444 = arith.addi %mul3A_442, %add3A_443 : i32
      %mul3A_445 = arith.constant 50 : i32
      %mul3A_446 = arith.muli %add3A_444, %mul3A_445 : i32
      %add3A_447 = arith.addi %mul3A_446, %select_n3A_335 : i32
      %add3A_448 = vector.broadcast %add3A_447 : i32 to vector<16xi32>
      %add3A_449 = arith.addi %mul3A_3, %add3A_448 : vector<16xi32>
      %gather3A_450 = tpu.vector_load_idx %arg5[%add3A_449] : memref<25600xi32, #tpu.memory_space<vmem>>[vector<16xi32>], vector<16xi32>,
      %swap3A_451 = arith.index_cast %scan3A_311 : i32 to index
      %swap3A_452 = arith.constant 112 : index
      %swap3A_453 = tpu.vector_load %arg6[%swap3A_451, %swap3A_452] {strides = array<i32>} : memref<200x128xi32, #tpu.memory_space<vmem>>, vector<16xi32>,
      tpu.vector_store %arg6[%swap3A_451, %swap3A_452], %gather3A_450 {strides = array<i32>} : memref<200x128xi32, #tpu.memory_space<vmem>>, vector<16xi32>,
    }
    %scan3A_238 = arith.constant 200 : i32
    %dma_start3A = arith.constant 0 : i32
    %dma_start3A_239 = arith.constant 0 : i32
    %dma_start3A_240 = tpu.memref_slice %arg6[%dma_start3A, %dma_start3A_239] : memref<200x128xi32, #tpu.memory_space<vmem>> -> memref<1x128xi32, #tpu.memory_space<vmem>>
    %dma_start3A_241 = tpu.memref_squeeze %dma_start3A_240 : memref<1x128xi32, #tpu.memory_space<vmem>> -> memref<128xi32, #tpu.memory_space<vmem>>
    %dma_start3A_242 = arith.constant 0 : i32
    %dma_start3A_243 = arith.constant 0 : i32
    %dma_start3A_244 = tpu.memref_slice %arg3[%dma_start3A_242, %dma_start3A_243] : memref<1000000x64xf32, #tpu.memory_space<hbm>> -> memref<1000000x64xf32, #tpu.memory_space<hbm>>
    tpu.enqueue_indirect_dma source(%dma_start3A_244 : memref<1000000x64xf32, #tpu.memory_space<hbm>>) target(%arg7 : memref<128x64xf32, #tpu.memory_space<vmem>>) offsets(%dma_start3A_241 : memref<128xi32, #tpu.memory_space<vmem>>) semaphore(%arg11 : memref<!tpu.dma_semaphore, #tpu.memory_space<semaphore_mem>>)
    %dma_start3A_245 = arith.constant 1 : i32
    %dma_start3A_246 = arith.constant 0 : i32
    %dma_start3A_247 = tpu.memref_slice %arg6[%dma_start3A_245, %dma_start3A_246] : memref<200x128xi32, #tpu.memory_space<vmem>> -> memref<1x128xi32, #tpu.memory_space<vmem>>
    %dma_start3A_248 = tpu.memref_squeeze %dma_start3A_247 : memref<1x128xi32, #tpu.memory_space<vmem>> -> memref<128xi32, #tpu.memory_space<vmem>>
    %dma_start3A_249 = arith.constant 0 : i32
    %dma_start3A_250 = arith.constant 0 : i32
    %dma_start3A_251 = tpu.memref_slice %arg3[%dma_start3A_249, %dma_start3A_250] : memref<1000000x64xf32, #tpu.memory_space<hbm>> -> memref<1000000x64xf32, #tpu.memory_space<hbm>>
    tpu.enqueue_indirect_dma source(%dma_start3A_251 : memref<1000000x64xf32, #tpu.memory_space<hbm>>) target(%arg8 : memref<128x64xf32, #tpu.memory_space<vmem>>) offsets(%dma_start3A_248 : memref<128xi32, #tpu.memory_space<vmem>>) semaphore(%arg12 : memref<!tpu.dma_semaphore, #tpu.memory_space<semaphore_mem>>)
    %scan3A_252 = arith.constant 0 : i32
    %scan3A_253 = arith.constant 0 : i32
    %scan3A_254 = arith.constant 100 : i32
    %scan3A_255 = arith.addi %scan3A_253, %scan3A_254 : i32
    %scan3A_256 = arith.constant 1 : i32
    scf.for %scan3A_311 = %scan3A_253 to %scan3A_255 step %scan3A_256  : i32 {
      %mul3A_312 = arith.constant 2 : i32
      %mul3A_313 = arith.muli %mul3A_312, %scan3A_311 : i32
      %add3A_314 = arith.constant 0 : i32
      %add3A_315 = arith.addi %mul3A_313, %add3A_314 : i32
      %ge3A = arith.constant 2 : i32
      %ge3A_316 = arith.cmpi sge, %add3A_315, %ge3A : i32
      %convert_element_type3A = arith.extui %ge3A_316 : i1 to i32
      %cond3A = arith.constant 0 : i32
      %cond3A_317 = arith.cmpi ne, %convert_element_type3A, %cond3A : i32
      scf.if %cond3A_317 {
        %sub3A_576 = arith.constant 2 : i32
        %sub3A_577 = arith.subi %add3A_315, %sub3A_576 : i32
        %jit3A_578 = arith.constant 4 : i32
        %div3A_579 = arith.divsi %sub3A_577, %jit3A_578 : i32
        %sign3A_580 = arith.constant 0 : i32
        %sign3A_581 = arith.cmpi sgt, %sub3A_577, %sign3A_580 : i32
        %sign3A_582 = arith.extui %sign3A_581 : i1 to i32
        %sign3A_583 = arith.constant 0 : i32
        %sign3A_584 = arith.cmpi slt, %sub3A_577, %sign3A_583 : i32
        %sign3A_585 = arith.extui %sign3A_584 : i1 to i32
        %sign3A_586 = arith.subi %sign3A_582, %sign3A_585 : i32
        %sign3A_587 = arith.constant 0 : i32
        %sign3A_588 = arith.cmpi sgt, %jit3A_578, %sign3A_587 : i32
        %sign3A_589 = arith.extui %sign3A_588 : i1 to i32
        %sign3A_590 = arith.constant 0 : i32
        %sign3A_591 = arith.cmpi slt, %jit3A_578, %sign3A_590 : i32
        %sign3A_592 = arith.extui %sign3A_591 : i1 to i32
        %sign3A_593 = arith.subi %sign3A_589, %sign3A_592 : i32
        %ne3A_594 = arith.cmpi ne, %sign3A_586, %sign3A_593 : i32
        %rem3A_595 = arith.remsi %sub3A_577, %jit3A_578 : i32
        %ne3A_596 = arith.constant 0 : i32
        %ne3A_597 = arith.cmpi ne, %rem3A_595, %ne3A_596 : i32
        %and3A_598 = arith.andi %ne3A_594, %ne3A_597 : i1
        %sub3A_599 = arith.constant 1 : i32
        %sub3A_600 = arith.subi %div3A_579, %sub3A_599 : i32
        %select_n3A_601 = arith.select %and3A_598, %sub3A_600, %div3A_579 : i32
        %mul3A_602 = arith.constant 4 : i32
        %mul3A_603 = arith.muli %add3A, %mul3A_602 : i32
        %jit3A_604 = arith.constant 4 : i32
        %eq3A_605 = arith.constant 0 : i32
        %eq3A_606 = arith.cmpi eq, %jit3A_604, %eq3A_605 : i32
        %jit3A_607 = arith.constant 1 : i32
        %select_n3A_608 = arith.select %eq3A_606, %jit3A_607, %jit3A_604 : i32
        %rem3A_609 = arith.remsi %sub3A_577, %select_n3A_608 : i32
        %ne3A_610 = arith.constant 0 : i32
        %ne3A_611 = arith.cmpi ne, %rem3A_609, %ne3A_610 : i32
        %lt3A_612 = arith.constant 0 : i32
        %lt3A_613 = arith.cmpi slt, %rem3A_609, %lt3A_612 : i32
        %lt3A_614 = arith.constant 0 : i32
        %lt3A_615 = arith.cmpi slt, %select_n3A_608, %lt3A_614 : i32
        %ne3A_616 = arith.xori %lt3A_613, %lt3A_615 : i1
        %and3A_617 = arith.andi %ne3A_616, %ne3A_611 : i1
        %add3A_618 = arith.addi %rem3A_609, %select_n3A_608 : i32
        %select_n3A_619 = arith.select %and3A_617, %add3A_618, %rem3A_609 : i32
        %add3A_620 = arith.addi %mul3A_603, %select_n3A_619 : i32
        %jit3A_621 = arith.constant 4 : i32
        %div3A_622 = arith.divsi %sub3A_577, %jit3A_621 : i32
        %sign3A_623 = arith.constant 0 : i32
        %sign3A_624 = arith.cmpi sgt, %sub3A_577, %sign3A_623 : i32
        %sign3A_625 = arith.extui %sign3A_624 : i1 to i32
        %sign3A_626 = arith.constant 0 : i32
        %sign3A_627 = arith.cmpi slt, %sub3A_577, %sign3A_626 : i32
        %sign3A_628 = arith.extui %sign3A_627 : i1 to i32
        %sign3A_629 = arith.subi %sign3A_625, %sign3A_628 : i32
        %sign3A_630 = arith.constant 0 : i32
        %sign3A_631 = arith.cmpi sgt, %jit3A_621, %sign3A_630 : i32
        %sign3A_632 = arith.extui %sign3A_631 : i1 to i32
        %sign3A_633 = arith.constant 0 : i32
        %sign3A_634 = arith.cmpi slt, %jit3A_621, %sign3A_633 : i32
        %sign3A_635 = arith.extui %sign3A_634 : i1 to i32
        %sign3A_636 = arith.subi %sign3A_632, %sign3A_635 : i32
        %ne3A_637 = arith.cmpi ne, %sign3A_629, %sign3A_636 : i32
        %rem3A_638 = arith.remsi %sub3A_577, %jit3A_621 : i32
        %ne3A_639 = arith.constant 0 : i32
        %ne3A_640 = arith.cmpi ne, %rem3A_638, %ne3A_639 : i32
        %and3A_641 = arith.andi %ne3A_637, %ne3A_640 : i1
        %sub3A_642 = arith.constant 1 : i32
        %sub3A_643 = arith.subi %div3A_622, %sub3A_642 : i32
        %select_n3A_644 = arith.select %and3A_641, %sub3A_643, %div3A_622 : i32
        %mul3A_645 = arith.constant 4 : i32
        %mul3A_646 = arith.muli %add3A, %mul3A_645 : i32
        %jit3A_647 = arith.constant 4 : i32
        %eq3A_648 = arith.constant 0 : i32
        %eq3A_649 = arith.cmpi eq, %jit3A_647, %eq3A_648 : i32
        %jit3A_650 = arith.constant 1 : i32
        %select_n3A_651 = arith.select %eq3A_649, %jit3A_650, %jit3A_647 : i32
        %rem3A_652 = arith.remsi %sub3A_577, %select_n3A_651 : i32
        %ne3A_653 = arith.constant 0 : i32
        %ne3A_654 = arith.cmpi ne, %rem3A_652, %ne3A_653 : i32
        %lt3A_655 = arith.constant 0 : i32
        %lt3A_656 = arith.cmpi slt, %rem3A_652, %lt3A_655 : i32
        %lt3A_657 = arith.constant 0 : i32
        %lt3A_658 = arith.cmpi slt, %select_n3A_651, %lt3A_657 : i32
        %ne3A_659 = arith.xori %lt3A_656, %lt3A_658 : i1
        %and3A_660 = arith.andi %ne3A_659, %ne3A_654 : i1
        %add3A_661 = arith.addi %rem3A_652, %select_n3A_651 : i32
        %select_n3A_662 = arith.select %and3A_660, %add3A_661, %rem3A_652 : i32
        %add3A_663 = arith.addi %mul3A_646, %select_n3A_662 : i32
        %dma_wait3A_664 = arith.constant 0 : i32
        %dma_wait3A_665 = arith.constant 0 : i32
        %dma_wait3A_666 = arith.constant 0 : i32
        %dma_wait3A_667 = tpu.memref_slice %arg9[%dma_wait3A_664, %dma_wait3A_665, %dma_wait3A_666] : memref<8x8x129xf32, #tpu.memory_space<vmem>> -> memref<8x8x128xf32, #tpu.memory_space<vmem>>
        %dma_wait3A_668 = arith.constant 0 : i32
        %dma_wait3A_669 = arith.constant 0 : i32
        %dma_wait3A_670 = arith.constant 0 : i32
        %dma_wait3A_671 = tpu.memref_slice %arg4[%select_n3A_644, %dma_wait3A_668, %add3A_663, %dma_wait3A_669, %dma_wait3A_670] : memref<50x8x128x8x128xf32, #tpu.memory_space<hbm>> -> memref<1x8x1x8x128xf32, #tpu.memory_space<hbm>>
        %dma_wait3A_672 = tpu.memref_squeeze %dma_wait3A_671 : memref<1x8x1x8x128xf32, #tpu.memory_space<hbm>> -> memref<8x8x128xf32, #tpu.memory_space<hbm>>
        %dma_wait3A_673 = arith.constant 0 : i32
        %dma_wait3A_674 = arith.constant 0 : i32
        %dma_wait3A_675 = arith.constant 0 : i32
        %dma_wait3A_676 = tpu.memref_slice %arg4[%select_n3A_644, %dma_wait3A_673, %add3A_663, %dma_wait3A_674, %dma_wait3A_675] : memref<50x8x128x8x128xf32, #tpu.memory_space<hbm>> -> memref<1x8x1x8x128xf32, #tpu.memory_space<hbm>>
        %dma_wait3A_677 = tpu.memref_squeeze %dma_wait3A_676 : memref<1x8x1x8x128xf32, #tpu.memory_space<hbm>> -> memref<8x8x128xf32, #tpu.memory_space<hbm>>
        %dma_wait3A_678 = arith.constant 0 : i32
        %dma_wait3A_679 = arith.constant 0 : i32
        %dma_wait3A_680 = arith.constant 0 : i32
        %dma_wait3A_681 = tpu.memref_slice %arg9[%dma_wait3A_678, %dma_wait3A_679, %dma_wait3A_680] : memref<8x8x129xf32, #tpu.memory_space<vmem>> -> memref<8x8x128xf32, #tpu.memory_space<vmem>>
        tpu.wait_dma2 semaphore(%arg13 : memref<!tpu.dma_semaphore, #tpu.memory_space<semaphore_mem>>) src(%dma_wait3A_681 : memref<8x8x128xf32, #tpu.memory_space<vmem>>) dst(%dma_wait3A_677 : memref<8x8x128xf32, #tpu.memory_space<hbm>>)
      } else {
      }
      %dma_wait3A_318 = arith.constant 0 : i32
      %dma_wait3A_319 = tpu.memref_slice %arg6[%add3A_315, %dma_wait3A_318] : memref<200x128xi32, #tpu.memory_space<vmem>> -> memref<1x128xi32, #tpu.memory_space<vmem>>
      %dma_wait3A_320 = tpu.memref_squeeze %dma_wait3A_319 : memref<1x128xi32, #tpu.memory_space<vmem>> -> memref<128xi32, #tpu.memory_space<vmem>>
      %dma_wait3A_321 = arith.constant 0 : i32
      %dma_wait3A_322 = arith.constant 0 : i32
      %dma_wait3A_323 = tpu.memref_slice %arg3[%dma_wait3A_321, %dma_wait3A_322] : memref<1000000x64xf32, #tpu.memory_space<hbm>> -> memref<1000000x64xf32, #tpu.memory_space<hbm>>
      tpu.wait_indirect_dma semaphore(%arg11 : memref<!tpu.dma_semaphore, #tpu.memory_space<semaphore_mem>>) src(%dma_wait3A_323 : memref<1000000x64xf32, #tpu.memory_space<hbm>>) dst(%arg7 : memref<128x64xf32, #tpu.memory_space<vmem>>)
      %broadcast_in_dim3A = arith.constant 0 : i32
      %broadcast_in_dim3A_324 = vector.broadcast %broadcast_in_dim3A : i32 to vector<16xi32>
      %scan3A_325 = arith.constant 0 : i32
      %scan3A_326 = arith.constant 32 : i32
      %scan3A_327 = arith.addi %scan3A_325, %scan3A_326 : i32
      %scan3A_328 = arith.constant 1 : i32
      %scan3A_329 = scf.for %scan3A_576 = %scan3A_325 to %scan3A_327 step %scan3A_328 iter_args(%scan3A_577 = %broadcast_in_dim3A_324) -> (vector<16xi32>)  : i32 {
        %add3A_578 = arith.constant 0 : i32
        %add3A_579 = vector.broadcast %add3A_578 : i32 to vector<16xi32>
        %add3A_580 = arith.addi %scan3A_577, %add3A_579 : vector<16xi32>
        %add3A_581 = arith.constant 1 : i32
        %add3A_582 = vector.broadcast %add3A_581 : i32 to vector<16xi32>
        %add3A_583 = arith.addi %scan3A_577, %add3A_582 : vector<16xi32>
        %add3A_584 = arith.constant 2 : i32
        %add3A_585 = vector.broadcast %add3A_584 : i32 to vector<16xi32>
        %add3A_586 = arith.addi %scan3A_577, %add3A_585 : vector<16xi32>
        %add3A_587 = arith.constant 3 : i32
        %add3A_588 = vector.broadcast %add3A_587 : i32 to vector<16xi32>
        %add3A_589 = arith.addi %scan3A_577, %add3A_588 : vector<16xi32>
        %mul3A_590 = arith.constant 4 : i32
        %mul3A_591 = arith.muli %mul3A_590, %scan3A_576 : i32
        %add3A_592 = arith.constant 0 : i32
        %add3A_593 = arith.addi %mul3A_591, %add3A_592 : i32
        %get3A = arith.index_cast %add3A_593 : i32 to index
        %get3A_594 = arith.constant 0 : index
        %get3A_595 = tpu.vector_load %arg7[%get3A, %get3A_594] {strides = array<i32>} : memref<128x64xf32, #tpu.memory_space<vmem>>, vector<16xf32>,
        %mul3A_596 = arith.constant 4 : i32
        %mul3A_597 = arith.muli %mul3A_596, %scan3A_576 : i32
        %add3A_598 = arith.constant 0 : i32
        %add3A_599 = arith.addi %mul3A_597, %add3A_598 : i32
        %get3A_600 = arith.index_cast %add3A_599 : i32 to index
        %get3A_601 = arith.constant 16 : index
        %get3A_602 = tpu.vector_load %arg7[%get3A_600, %get3A_601] {strides = array<i32>} : memref<128x64xf32, #tpu.memory_space<vmem>>, vector<16xf32>,
        %mul3A_603 = arith.constant 4 : i32
        %mul3A_604 = arith.muli %mul3A_603, %scan3A_576 : i32
        %add3A_605 = arith.constant 0 : i32
        %add3A_606 = arith.addi %mul3A_604, %add3A_605 : i32
        %get3A_607 = arith.index_cast %add3A_606 : i32 to index
        %get3A_608 = arith.constant 32 : index
        %get3A_609 = tpu.vector_load %arg7[%get3A_607, %get3A_608] {strides = array<i32>} : memref<128x64xf32, #tpu.memory_space<vmem>>, vector<16xf32>,
        %mul3A_610 = arith.constant 4 : i32
        %mul3A_611 = arith.muli %mul3A_610, %scan3A_576 : i32
        %add3A_612 = arith.constant 0 : i32
        %add3A_613 = arith.addi %mul3A_611, %add3A_612 : i32
        %get3A_614 = arith.index_cast %add3A_613 : i32 to index
        %get3A_615 = arith.constant 48 : index
        %get3A_616 = tpu.vector_load %arg7[%get3A_614, %get3A_615] {strides = array<i32>} : memref<128x64xf32, #tpu.memory_space<vmem>>, vector<16xf32>,
        %mul3A_617 = arith.constant 4 : i32
        %mul3A_618 = arith.muli %mul3A_617, %scan3A_576 : i32
        %add3A_619 = arith.constant 1 : i32
        %add3A_620 = arith.addi %mul3A_618, %add3A_619 : i32
        %get3A_621 = arith.index_cast %add3A_620 : i32 to index
        %get3A_622 = arith.constant 0 : index
        %get3A_623 = tpu.vector_load %arg7[%get3A_621, %get3A_622] {strides = array<i32>} : memref<128x64xf32, #tpu.memory_space<vmem>>, vector<16xf32>,
        %mul3A_624 = arith.constant 4 : i32
        %mul3A_625 = arith.muli %mul3A_624, %scan3A_576 : i32
        %add3A_626 = arith.constant 1 : i32
        %add3A_627 = arith.addi %mul3A_625, %add3A_626 : i32
        %get3A_628 = arith.index_cast %add3A_627 : i32 to index
        %get3A_629 = arith.constant 16 : index
        %get3A_630 = tpu.vector_load %arg7[%get3A_628, %get3A_629] {strides = array<i32>} : memref<128x64xf32, #tpu.memory_space<vmem>>, vector<16xf32>,
        %mul3A_631 = arith.constant 4 : i32
        %mul3A_632 = arith.muli %mul3A_631, %scan3A_576 : i32
        %add3A_633 = arith.constant 1 : i32
        %add3A_634 = arith.addi %mul3A_632, %add3A_633 : i32
        %get3A_635 = arith.index_cast %add3A_634 : i32 to index
        %get3A_636 = arith.constant 32 : index
        %get3A_637 = tpu.vector_load %arg7[%get3A_635, %get3A_636] {strides = array<i32>} : memref<128x64xf32, #tpu.memory_space<vmem>>, vector<16xf32>,
        %mul3A_638 = arith.constant 4 : i32
        %mul3A_639 = arith.muli %mul3A_638, %scan3A_576 : i32
        %add3A_640 = arith.constant 1 : i32
        %add3A_641 = arith.addi %mul3A_639, %add3A_640 : i32
        %get3A_642 = arith.index_cast %add3A_641 : i32 to index
        %get3A_643 = arith.constant 48 : index
        %get3A_644 = tpu.vector_load %arg7[%get3A_642, %get3A_643] {strides = array<i32>} : memref<128x64xf32, #tpu.memory_space<vmem>>, vector<16xf32>,
        %mul3A_645 = arith.constant 4 : i32
        %mul3A_646 = arith.muli %mul3A_645, %scan3A_576 : i32
        %add3A_647 = arith.constant 2 : i32
        %add3A_648 = arith.addi %mul3A_646, %add3A_647 : i32
        %get3A_649 = arith.index_cast %add3A_648 : i32 to index
        %get3A_650 = arith.constant 0 : index
        %get3A_651 = tpu.vector_load %arg7[%get3A_649, %get3A_650] {strides = array<i32>} : memref<128x64xf32, #tpu.memory_space<vmem>>, vector<16xf32>,
        %mul3A_652 = arith.constant 4 : i32
        %mul3A_653 = arith.muli %mul3A_652, %scan3A_576 : i32
        %add3A_654 = arith.constant 2 : i32
        %add3A_655 = arith.addi %mul3A_653, %add3A_654 : i32
        %get3A_656 = arith.index_cast %add3A_655 : i32 to index
        %get3A_657 = arith.constant 16 : index
        %get3A_658 = tpu.vector_load %arg7[%get3A_656, %get3A_657] {strides = array<i32>} : memref<128x64xf32, #tpu.memory_space<vmem>>, vector<16xf32>,
        %mul3A_659 = arith.constant 4 : i32
        %mul3A_660 = arith.muli %mul3A_659, %scan3A_576 : i32
        %add3A_661 = arith.constant 2 : i32
        %add3A_662 = arith.addi %mul3A_660, %add3A_661 : i32
        %get3A_663 = arith.index_cast %add3A_662 : i32 to index
        %get3A_664 = arith.constant 32 : index
        %get3A_665 = tpu.vector_load %arg7[%get3A_663, %get3A_664] {strides = array<i32>} : memref<128x64xf32, #tpu.memory_space<vmem>>, vector<16xf32>,
        %mul3A_666 = arith.constant 4 : i32
        %mul3A_667 = arith.muli %mul3A_666, %scan3A_576 : i32
        %add3A_668 = arith.constant 2 : i32
        %add3A_669 = arith.addi %mul3A_667, %add3A_668 : i32
        %get3A_670 = arith.index_cast %add3A_669 : i32 to index
        %get3A_671 = arith.constant 48 : index
        %get3A_672 = tpu.vector_load %arg7[%get3A_670, %get3A_671] {strides = array<i32>} : memref<128x64xf32, #tpu.memory_space<vmem>>, vector<16xf32>,
        %mul3A_673 = arith.constant 4 : i32
        %mul3A_674 = arith.muli %mul3A_673, %scan3A_576 : i32
        %add3A_675 = arith.constant 3 : i32
        %add3A_676 = arith.addi %mul3A_674, %add3A_675 : i32
        %get3A_677 = arith.index_cast %add3A_676 : i32 to index
        %get3A_678 = arith.constant 0 : index
        %get3A_679 = tpu.vector_load %arg7[%get3A_677, %get3A_678] {strides = array<i32>} : memref<128x64xf32, #tpu.memory_space<vmem>>, vector<16xf32>,
        %mul3A_680 = arith.constant 4 : i32
        %mul3A_681 = arith.muli %mul3A_680, %scan3A_576 : i32
        %add3A_682 = arith.constant 3 : i32
        %add3A_683 = arith.addi %mul3A_681, %add3A_682 : i32
        %get3A_684 = arith.index_cast %add3A_683 : i32 to index
        %get3A_685 = arith.constant 16 : index
        %get3A_686 = tpu.vector_load %arg7[%get3A_684, %get3A_685] {strides = array<i32>} : memref<128x64xf32, #tpu.memory_space<vmem>>, vector<16xf32>,
        %mul3A_687 = arith.constant 4 : i32
        %mul3A_688 = arith.muli %mul3A_687, %scan3A_576 : i32
        %add3A_689 = arith.constant 3 : i32
        %add3A_690 = arith.addi %mul3A_688, %add3A_689 : i32
        %get3A_691 = arith.index_cast %add3A_690 : i32 to index
        %get3A_692 = arith.constant 32 : index
        %get3A_693 = tpu.vector_load %arg7[%get3A_691, %get3A_692] {strides = array<i32>} : memref<128x64xf32, #tpu.memory_space<vmem>>, vector<16xf32>,
        %mul3A_694 = arith.constant 4 : i32
        %mul3A_695 = arith.muli %mul3A_694, %scan3A_576 : i32
        %add3A_696 = arith.constant 3 : i32
        %add3A_697 = arith.addi %mul3A_695, %add3A_696 : i32
        %get3A_698 = arith.index_cast %add3A_697 : i32 to index
        %get3A_699 = arith.constant 48 : index
        %get3A_700 = tpu.vector_load %arg7[%get3A_698, %get3A_699] {strides = array<i32>} : memref<128x64xf32, #tpu.memory_space<vmem>>, vector<16xf32>,
        tpu.vector_store_idx %arg9[%select_n3A, %select_n3A_154, %add3A_580], %get3A_595 : memref<8x8x129xf32, #tpu.memory_space<vmem>>[vector<16xi32>, vector<16xi32>, vector<16xi32>], vector<16xf32>,
        tpu.vector_store_idx %arg9[%select_n3A_63, %select_n3A_179, %add3A_580], %get3A_602 : memref<8x8x129xf32, #tpu.memory_space<vmem>>[vector<16xi32>, vector<16xi32>, vector<16xi32>], vector<16xf32>,
        tpu.vector_store_idx %arg9[%select_n3A_97, %select_n3A_204, %add3A_580], %get3A_609 : memref<8x8x129xf32, #tpu.memory_space<vmem>>[vector<16xi32>, vector<16xi32>, vector<16xi32>], vector<16xf32>,
        tpu.vector_store_idx %arg9[%select_n3A_131, %select_n3A_229, %add3A_580], %get3A_616 : memref<8x8x129xf32, #tpu.memory_space<vmem>>[vector<16xi32>, vector<16xi32>, vector<16xi32>], vector<16xf32>,
        tpu.vector_store_idx %arg9[%select_n3A, %select_n3A_154, %add3A_583], %get3A_623 : memref<8x8x129xf32, #tpu.memory_space<vmem>>[vector<16xi32>, vector<16xi32>, vector<16xi32>], vector<16xf32>,
        tpu.vector_store_idx %arg9[%select_n3A_63, %select_n3A_179, %add3A_583], %get3A_630 : memref<8x8x129xf32, #tpu.memory_space<vmem>>[vector<16xi32>, vector<16xi32>, vector<16xi32>], vector<16xf32>,
        tpu.vector_store_idx %arg9[%select_n3A_97, %select_n3A_204, %add3A_583], %get3A_637 : memref<8x8x129xf32, #tpu.memory_space<vmem>>[vector<16xi32>, vector<16xi32>, vector<16xi32>], vector<16xf32>,
        tpu.vector_store_idx %arg9[%select_n3A_131, %select_n3A_229, %add3A_583], %get3A_644 : memref<8x8x129xf32, #tpu.memory_space<vmem>>[vector<16xi32>, vector<16xi32>, vector<16xi32>], vector<16xf32>,
        tpu.vector_store_idx %arg9[%select_n3A, %select_n3A_154, %add3A_586], %get3A_651 : memref<8x8x129xf32, #tpu.memory_space<vmem>>[vector<16xi32>, vector<16xi32>, vector<16xi32>], vector<16xf32>,
        tpu.vector_store_idx %arg9[%select_n3A_63, %select_n3A_179, %add3A_586], %get3A_658 : memref<8x8x129xf32, #tpu.memory_space<vmem>>[vector<16xi32>, vector<16xi32>, vector<16xi32>], vector<16xf32>,
        tpu.vector_store_idx %arg9[%select_n3A_97, %select_n3A_204, %add3A_586], %get3A_665 : memref<8x8x129xf32, #tpu.memory_space<vmem>>[vector<16xi32>, vector<16xi32>, vector<16xi32>], vector<16xf32>,
        tpu.vector_store_idx %arg9[%select_n3A_131, %select_n3A_229, %add3A_586], %get3A_672 : memref<8x8x129xf32, #tpu.memory_space<vmem>>[vector<16xi32>, vector<16xi32>, vector<16xi32>], vector<16xf32>,
        tpu.vector_store_idx %arg9[%select_n3A, %select_n3A_154, %add3A_589], %get3A_679 : memref<8x8x129xf32, #tpu.memory_space<vmem>>[vector<16xi32>, vector<16xi32>, vector<16xi32>], vector<16xf32>,
        tpu.vector_store_idx %arg9[%select_n3A_63, %select_n3A_179, %add3A_589], %get3A_686 : memref<8x8x129xf32, #tpu.memory_space<vmem>>[vector<16xi32>, vector<16xi32>, vector<16xi32>], vector<16xf32>,
        tpu.vector_store_idx %arg9[%select_n3A_97, %select_n3A_204, %add3A_589], %get3A_693 : memref<8x8x129xf32, #tpu.memory_space<vmem>>[vector<16xi32>, vector<16xi32>, vector<16xi32>], vector<16xf32>,
        tpu.vector_store_idx %arg9[%select_n3A_131, %select_n3A_229, %add3A_589], %get3A_700 : memref<8x8x129xf32, #tpu.memory_space<vmem>>[vector<16xi32>, vector<16xi32>, vector<16xi32>], vector<16xf32>,
        %add3A_701 = arith.constant 4 : i32
        %add3A_702 = vector.broadcast %add3A_701 : i32 to vector<16xi32>
        %add3A_703 = arith.addi %scan3A_577, %add3A_702 : vector<16xi32>
        scf.yield %add3A_703 : vector<16xi32>
      }
      %scan3A_330 = arith.constant 32 : i32
      %jit3A_331 = arith.constant 4 : i32
      %div3A_332 = arith.divsi %add3A_315, %jit3A_331 : i32
      %sign3A_333 = arith.constant 0 : i32
      %sign3A_334 = arith.cmpi sgt, %add3A_315, %sign3A_333 : i32
      %sign3A_335 = arith.extui %sign3A_334 : i1 to i32
      %sign3A_336 = arith.constant 0 : i32
      %sign3A_337 = arith.cmpi slt, %add3A_315, %sign3A_336 : i32
      %sign3A_338 = arith.extui %sign3A_337 : i1 to i32
      %sign3A_339 = arith.subi %sign3A_335, %sign3A_338 : i32
      %sign3A_340 = arith.constant 0 : i32
      %sign3A_341 = arith.cmpi sgt, %jit3A_331, %sign3A_340 : i32
      %sign3A_342 = arith.extui %sign3A_341 : i1 to i32
      %sign3A_343 = arith.constant 0 : i32
      %sign3A_344 = arith.cmpi slt, %jit3A_331, %sign3A_343 : i32
      %sign3A_345 = arith.extui %sign3A_344 : i1 to i32
      %sign3A_346 = arith.subi %sign3A_342, %sign3A_345 : i32
      %ne3A_347 = arith.cmpi ne, %sign3A_339, %sign3A_346 : i32
      %rem3A_348 = arith.remsi %add3A_315, %jit3A_331 : i32
      %ne3A_349 = arith.constant 0 : i32
      %ne3A_350 = arith.cmpi ne, %rem3A_348, %ne3A_349 : i32
      %and3A_351 = arith.andi %ne3A_347, %ne3A_350 : i1
      %sub3A_352 = arith.constant 1 : i32
      %sub3A_353 = arith.subi %div3A_332, %sub3A_352 : i32
      %select_n3A_354 = arith.select %and3A_351, %sub3A_353, %div3A_332 : i32
      %mul3A_355 = arith.constant 4 : i32
      %mul3A_356 = arith.muli %add3A, %mul3A_355 : i32
      %jit3A_357 = arith.constant 4 : i32
      %eq3A_358 = arith.constant 0 : i32
      %eq3A_359 = arith.cmpi eq, %jit3A_357, %eq3A_358 : i32
      %jit3A_360 = arith.constant 1 : i32
      %select_n3A_361 = arith.select %eq3A_359, %jit3A_360, %jit3A_357 : i32
      %rem3A_362 = arith.remsi %add3A_315, %select_n3A_361 : i32
      %ne3A_363 = arith.constant 0 : i32
      %ne3A_364 = arith.cmpi ne, %rem3A_362, %ne3A_363 : i32
      %lt3A_365 = arith.constant 0 : i32
      %lt3A_366 = arith.cmpi slt, %rem3A_362, %lt3A_365 : i32
      %lt3A_367 = arith.constant 0 : i32
      %lt3A_368 = arith.cmpi slt, %select_n3A_361, %lt3A_367 : i32
      %ne3A_369 = arith.xori %lt3A_366, %lt3A_368 : i1
      %and3A_370 = arith.andi %ne3A_369, %ne3A_364 : i1
      %add3A_371 = arith.addi %rem3A_362, %select_n3A_361 : i32
      %select_n3A_372 = arith.select %and3A_370, %add3A_371, %rem3A_362 : i32
      %add3A_373 = arith.addi %mul3A_356, %select_n3A_372 : i32
      %jit3A_374 = arith.constant 4 : i32
      %div3A_375 = arith.divsi %add3A_315, %jit3A_374 : i32
      %sign3A_376 = arith.constant 0 : i32
      %sign3A_377 = arith.cmpi sgt, %add3A_315, %sign3A_376 : i32
      %sign3A_378 = arith.extui %sign3A_377 : i1 to i32
      %sign3A_379 = arith.constant 0 : i32
      %sign3A_380 = arith.cmpi slt, %add3A_315, %sign3A_379 : i32
      %sign3A_381 = arith.extui %sign3A_380 : i1 to i32
      %sign3A_382 = arith.subi %sign3A_378, %sign3A_381 : i32
      %sign3A_383 = arith.constant 0 : i32
      %sign3A_384 = arith.cmpi sgt, %jit3A_374, %sign3A_383 : i32
      %sign3A_385 = arith.extui %sign3A_384 : i1 to i32
      %sign3A_386 = arith.constant 0 : i32
      %sign3A_387 = arith.cmpi slt, %jit3A_374, %sign3A_386 : i32
      %sign3A_388 = arith.extui %sign3A_387 : i1 to i32
      %sign3A_389 = arith.subi %sign3A_385, %sign3A_388 : i32
      %ne3A_390 = arith.cmpi ne, %sign3A_382, %sign3A_389 : i32
      %rem3A_391 = arith.remsi %add3A_315, %jit3A_374 : i32
      %ne3A_392 = arith.constant 0 : i32
      %ne3A_393 = arith.cmpi ne, %rem3A_391, %ne3A_392 : i32
      %and3A_394 = arith.andi %ne3A_390, %ne3A_393 : i1
      %sub3A_395 = arith.constant 1 : i32
      %sub3A_396 = arith.subi %div3A_375, %sub3A_395 : i32
      %select_n3A_397 = arith.select %and3A_394, %sub3A_396, %div3A_375 : i32
      %mul3A_398 = arith.constant 4 : i32
      %mul3A_399 = arith.muli %add3A, %mul3A_398 : i32
      %jit3A_400 = arith.constant 4 : i32
      %eq3A_401 = arith.constant 0 : i32
      %eq3A_402 = arith.cmpi eq, %jit3A_400, %eq3A_401 : i32
      %jit3A_403 = arith.constant 1 : i32
      %select_n3A_404 = arith.select %eq3A_402, %jit3A_403, %jit3A_400 : i32
      %rem3A_405 = arith.remsi %add3A_315, %select_n3A_404 : i32
      %ne3A_406 = arith.constant 0 : i32
      %ne3A_407 = arith.cmpi ne, %rem3A_405, %ne3A_406 : i32
      %lt3A_408 = arith.constant 0 : i32
      %lt3A_409 = arith.cmpi slt, %rem3A_405, %lt3A_408 : i32
      %lt3A_410 = arith.constant 0 : i32
      %lt3A_411 = arith.cmpi slt, %select_n3A_404, %lt3A_410 : i32
      %ne3A_412 = arith.xori %lt3A_409, %lt3A_411 : i1
      %and3A_413 = arith.andi %ne3A_412, %ne3A_407 : i1
      %add3A_414 = arith.addi %rem3A_405, %select_n3A_404 : i32
      %select_n3A_415 = arith.select %and3A_413, %add3A_414, %rem3A_405 : i32
      %add3A_416 = arith.addi %mul3A_399, %select_n3A_415 : i32
      %dma_start3A_417 = arith.constant 0 : i32
      %dma_start3A_418 = arith.constant 0 : i32
      %dma_start3A_419 = arith.constant 0 : i32
      %dma_start3A_420 = tpu.memref_slice %arg9[%dma_start3A_417, %dma_start3A_418, %dma_start3A_419] : memref<8x8x129xf32, #tpu.memory_space<vmem>> -> memref<8x8x128xf32, #tpu.memory_space<vmem>>
      %dma_start3A_421 = arith.constant 0 : i32
      %dma_start3A_422 = arith.constant 0 : i32
      %dma_start3A_423 = arith.constant 0 : i32
      %dma_start3A_424 = tpu.memref_slice %arg4[%select_n3A_397, %dma_start3A_421, %add3A_416, %dma_start3A_422, %dma_start3A_423] : memref<50x8x128x8x128xf32, #tpu.memory_space<hbm>> -> memref<1x8x1x8x128xf32, #tpu.memory_space<hbm>>
      %dma_start3A_425 = tpu.memref_squeeze %dma_start3A_424 : memref<1x8x1x8x128xf32, #tpu.memory_space<hbm>> -> memref<8x8x128xf32, #tpu.memory_space<hbm>>
      %dma_start3A_426 = arith.constant 0 : i32
      %dma_start3A_427 = arith.constant 0 : i32
      %dma_start3A_428 = arith.constant 0 : i32
      %dma_start3A_429 = tpu.memref_slice %arg4[%select_n3A_397, %dma_start3A_426, %add3A_416, %dma_start3A_427, %dma_start3A_428] : memref<50x8x128x8x128xf32, #tpu.memory_space<hbm>> -> memref<1x8x1x8x128xf32, #tpu.memory_space<hbm>>
      %dma_start3A_430 = tpu.memref_squeeze %dma_start3A_429 : memref<1x8x1x8x128xf32, #tpu.memory_space<hbm>> -> memref<8x8x128xf32, #tpu.memory_space<hbm>>
      %dma_start3A_431 = arith.constant 0 : i32
      %dma_start3A_432 = arith.constant 0 : i32
      %dma_start3A_433 = arith.constant 0 : i32
      %dma_start3A_434 = tpu.memref_slice %arg9[%dma_start3A_431, %dma_start3A_432, %dma_start3A_433] : memref<8x8x129xf32, #tpu.memory_space<vmem>> -> memref<8x8x128xf32, #tpu.memory_space<vmem>>
      tpu.enqueue_dma source(%dma_start3A_434 : memref<8x8x128xf32, #tpu.memory_space<vmem>>) target(%dma_start3A_430 : memref<8x8x128xf32, #tpu.memory_space<hbm>>) target_semaphore(%arg13 : memref<!tpu.dma_semaphore, #tpu.memory_space<semaphore_mem>>)
      %add3A_435 = arith.constant 2 : i32
      %add3A_436 = arith.addi %add3A_315, %add3A_435 : i32
      %lt3A_437 = arith.constant 200 : i32
      %lt3A_438 = arith.cmpi slt, %add3A_436, %lt3A_437 : i32
      %convert_element_type3A_439 = arith.extui %lt3A_438 : i1 to i32
      %cond3A_440 = arith.constant 0 : i32
      %cond3A_441 = arith.cmpi ne, %convert_element_type3A_439, %cond3A_440 : i32
      scf.if %cond3A_441 {
        %add3A_576 = arith.constant 2 : i32
        %add3A_577 = arith.addi %add3A_315, %add3A_576 : i32
        %dma_start3A_578 = arith.constant 0 : i32
        %dma_start3A_579 = tpu.memref_slice %arg6[%add3A_577, %dma_start3A_578] : memref<200x128xi32, #tpu.memory_space<vmem>> -> memref<1x128xi32, #tpu.memory_space<vmem>>
        %dma_start3A_580 = tpu.memref_squeeze %dma_start3A_579 : memref<1x128xi32, #tpu.memory_space<vmem>> -> memref<128xi32, #tpu.memory_space<vmem>>
        %dma_start3A_581 = arith.constant 0 : i32
        %dma_start3A_582 = arith.constant 0 : i32
        %dma_start3A_583 = tpu.memref_slice %arg3[%dma_start3A_581, %dma_start3A_582] : memref<1000000x64xf32, #tpu.memory_space<hbm>> -> memref<1000000x64xf32, #tpu.memory_space<hbm>>
        tpu.enqueue_indirect_dma source(%dma_start3A_583 : memref<1000000x64xf32, #tpu.memory_space<hbm>>) target(%arg7 : memref<128x64xf32, #tpu.memory_space<vmem>>) offsets(%dma_start3A_580 : memref<128xi32, #tpu.memory_space<vmem>>) semaphore(%arg11 : memref<!tpu.dma_semaphore, #tpu.memory_space<semaphore_mem>>)
      } else {
      }
      %mul3A_442 = arith.constant 2 : i32
      %mul3A_443 = arith.muli %mul3A_442, %scan3A_311 : i32
      %add3A_444 = arith.constant 1 : i32
      %add3A_445 = arith.addi %mul3A_443, %add3A_444 : i32
      %ge3A_446 = arith.constant 2 : i32
      %ge3A_447 = arith.cmpi sge, %add3A_445, %ge3A_446 : i32
      %convert_element_type3A_448 = arith.extui %ge3A_447 : i1 to i32
      %cond3A_449 = arith.constant 0 : i32
      %cond3A_450 = arith.cmpi ne, %convert_element_type3A_448, %cond3A_449 : i32
      scf.if %cond3A_450 {
        %sub3A_576 = arith.constant 2 : i32
        %sub3A_577 = arith.subi %add3A_445, %sub3A_576 : i32
        %jit3A_578 = arith.constant 4 : i32
        %div3A_579 = arith.divsi %sub3A_577, %jit3A_578 : i32
        %sign3A_580 = arith.constant 0 : i32
        %sign3A_581 = arith.cmpi sgt, %sub3A_577, %sign3A_580 : i32
        %sign3A_582 = arith.extui %sign3A_581 : i1 to i32
        %sign3A_583 = arith.constant 0 : i32
        %sign3A_584 = arith.cmpi slt, %sub3A_577, %sign3A_583 : i32
        %sign3A_585 = arith.extui %sign3A_584 : i1 to i32
        %sign3A_586 = arith.subi %sign3A_582, %sign3A_585 : i32
        %sign3A_587 = arith.constant 0 : i32
        %sign3A_588 = arith.cmpi sgt, %jit3A_578, %sign3A_587 : i32
        %sign3A_589 = arith.extui %sign3A_588 : i1 to i32
        %sign3A_590 = arith.constant 0 : i32
        %sign3A_591 = arith.cmpi slt, %jit3A_578, %sign3A_590 : i32
        %sign3A_592 = arith.extui %sign3A_591 : i1 to i32
        %sign3A_593 = arith.subi %sign3A_589, %sign3A_592 : i32
        %ne3A_594 = arith.cmpi ne, %sign3A_586, %sign3A_593 : i32
        %rem3A_595 = arith.remsi %sub3A_577, %jit3A_578 : i32
        %ne3A_596 = arith.constant 0 : i32
        %ne3A_597 = arith.cmpi ne, %rem3A_595, %ne3A_596 : i32
        %and3A_598 = arith.andi %ne3A_594, %ne3A_597 : i1
        %sub3A_599 = arith.constant 1 : i32
        %sub3A_600 = arith.subi %div3A_579, %sub3A_599 : i32
        %select_n3A_601 = arith.select %and3A_598, %sub3A_600, %div3A_579 : i32
        %mul3A_602 = arith.constant 4 : i32
        %mul3A_603 = arith.muli %add3A, %mul3A_602 : i32
        %jit3A_604 = arith.constant 4 : i32
        %eq3A_605 = arith.constant 0 : i32
        %eq3A_606 = arith.cmpi eq, %jit3A_604, %eq3A_605 : i32
        %jit3A_607 = arith.constant 1 : i32
        %select_n3A_608 = arith.select %eq3A_606, %jit3A_607, %jit3A_604 : i32
        %rem3A_609 = arith.remsi %sub3A_577, %select_n3A_608 : i32
        %ne3A_610 = arith.constant 0 : i32
        %ne3A_611 = arith.cmpi ne, %rem3A_609, %ne3A_610 : i32
        %lt3A_612 = arith.constant 0 : i32
        %lt3A_613 = arith.cmpi slt, %rem3A_609, %lt3A_612 : i32
        %lt3A_614 = arith.constant 0 : i32
        %lt3A_615 = arith.cmpi slt, %select_n3A_608, %lt3A_614 : i32
        %ne3A_616 = arith.xori %lt3A_613, %lt3A_615 : i1
        %and3A_617 = arith.andi %ne3A_616, %ne3A_611 : i1
        %add3A_618 = arith.addi %rem3A_609, %select_n3A_608 : i32
        %select_n3A_619 = arith.select %and3A_617, %add3A_618, %rem3A_609 : i32
        %add3A_620 = arith.addi %mul3A_603, %select_n3A_619 : i32
        %jit3A_621 = arith.constant 4 : i32
        %div3A_622 = arith.divsi %sub3A_577, %jit3A_621 : i32
        %sign3A_623 = arith.constant 0 : i32
        %sign3A_624 = arith.cmpi sgt, %sub3A_577, %sign3A_623 : i32
        %sign3A_625 = arith.extui %sign3A_624 : i1 to i32
        %sign3A_626 = arith.constant 0 : i32
        %sign3A_627 = arith.cmpi slt, %sub3A_577, %sign3A_626 : i32
        %sign3A_628 = arith.extui %sign3A_627 : i1 to i32
        %sign3A_629 = arith.subi %sign3A_625, %sign3A_628 : i32
        %sign3A_630 = arith.constant 0 : i32
        %sign3A_631 = arith.cmpi sgt, %jit3A_621, %sign3A_630 : i32
        %sign3A_632 = arith.extui %sign3A_631 : i1 to i32
        %sign3A_633 = arith.constant 0 : i32
        %sign3A_634 = arith.cmpi slt, %jit3A_621, %sign3A_633 : i32
        %sign3A_635 = arith.extui %sign3A_634 : i1 to i32
        %sign3A_636 = arith.subi %sign3A_632, %sign3A_635 : i32
        %ne3A_637 = arith.cmpi ne, %sign3A_629, %sign3A_636 : i32
        %rem3A_638 = arith.remsi %sub3A_577, %jit3A_621 : i32
        %ne3A_639 = arith.constant 0 : i32
        %ne3A_640 = arith.cmpi ne, %rem3A_638, %ne3A_639 : i32
        %and3A_641 = arith.andi %ne3A_637, %ne3A_640 : i1
        %sub3A_642 = arith.constant 1 : i32
        %sub3A_643 = arith.subi %div3A_622, %sub3A_642 : i32
        %select_n3A_644 = arith.select %and3A_641, %sub3A_643, %div3A_622 : i32
        %mul3A_645 = arith.constant 4 : i32
        %mul3A_646 = arith.muli %add3A, %mul3A_645 : i32
        %jit3A_647 = arith.constant 4 : i32
        %eq3A_648 = arith.constant 0 : i32
        %eq3A_649 = arith.cmpi eq, %jit3A_647, %eq3A_648 : i32
        %jit3A_650 = arith.constant 1 : i32
        %select_n3A_651 = arith.select %eq3A_649, %jit3A_650, %jit3A_647 : i32
        %rem3A_652 = arith.remsi %sub3A_577, %select_n3A_651 : i32
        %ne3A_653 = arith.constant 0 : i32
        %ne3A_654 = arith.cmpi ne, %rem3A_652, %ne3A_653 : i32
        %lt3A_655 = arith.constant 0 : i32
        %lt3A_656 = arith.cmpi slt, %rem3A_652, %lt3A_655 : i32
        %lt3A_657 = arith.constant 0 : i32
        %lt3A_658 = arith.cmpi slt, %select_n3A_651, %lt3A_657 : i32
        %ne3A_659 = arith.xori %lt3A_656, %lt3A_658 : i1
        %and3A_660 = arith.andi %ne3A_659, %ne3A_654 : i1
        %add3A_661 = arith.addi %rem3A_652, %select_n3A_651 : i32
        %select_n3A_662 = arith.select %and3A_660, %add3A_661, %rem3A_652 : i32
        %add3A_663 = arith.addi %mul3A_646, %select_n3A_662 : i32
        %dma_wait3A_664 = arith.constant 0 : i32
        %dma_wait3A_665 = arith.constant 0 : i32
        %dma_wait3A_666 = arith.constant 0 : i32
        %dma_wait3A_667 = tpu.memref_slice %arg10[%dma_wait3A_664, %dma_wait3A_665, %dma_wait3A_666] : memref<8x8x129xf32, #tpu.memory_space<vmem>> -> memref<8x8x128xf32, #tpu.memory_space<vmem>>
        %dma_wait3A_668 = arith.constant 0 : i32
        %dma_wait3A_669 = arith.constant 0 : i32
        %dma_wait3A_670 = arith.constant 0 : i32
        %dma_wait3A_671 = tpu.memref_slice %arg4[%select_n3A_644, %dma_wait3A_668, %add3A_663, %dma_wait3A_669, %dma_wait3A_670] : memref<50x8x128x8x128xf32, #tpu.memory_space<hbm>> -> memref<1x8x1x8x128xf32, #tpu.memory_space<hbm>>
        %dma_wait3A_672 = tpu.memref_squeeze %dma_wait3A_671 : memref<1x8x1x8x128xf32, #tpu.memory_space<hbm>> -> memref<8x8x128xf32, #tpu.memory_space<hbm>>
        %dma_wait3A_673 = arith.constant 0 : i32
        %dma_wait3A_674 = arith.constant 0 : i32
        %dma_wait3A_675 = arith.constant 0 : i32
        %dma_wait3A_676 = tpu.memref_slice %arg4[%select_n3A_644, %dma_wait3A_673, %add3A_663, %dma_wait3A_674, %dma_wait3A_675] : memref<50x8x128x8x128xf32, #tpu.memory_space<hbm>> -> memref<1x8x1x8x128xf32, #tpu.memory_space<hbm>>
        %dma_wait3A_677 = tpu.memref_squeeze %dma_wait3A_676 : memref<1x8x1x8x128xf32, #tpu.memory_space<hbm>> -> memref<8x8x128xf32, #tpu.memory_space<hbm>>
        %dma_wait3A_678 = arith.constant 0 : i32
        %dma_wait3A_679 = arith.constant 0 : i32
        %dma_wait3A_680 = arith.constant 0 : i32
        %dma_wait3A_681 = tpu.memref_slice %arg10[%dma_wait3A_678, %dma_wait3A_679, %dma_wait3A_680] : memref<8x8x129xf32, #tpu.memory_space<vmem>> -> memref<8x8x128xf32, #tpu.memory_space<vmem>>
        tpu.wait_dma2 semaphore(%arg14 : memref<!tpu.dma_semaphore, #tpu.memory_space<semaphore_mem>>) src(%dma_wait3A_681 : memref<8x8x128xf32, #tpu.memory_space<vmem>>) dst(%dma_wait3A_677 : memref<8x8x128xf32, #tpu.memory_space<hbm>>)
      } else {
      }
      %dma_wait3A_451 = arith.constant 0 : i32
      %dma_wait3A_452 = tpu.memref_slice %arg6[%add3A_445, %dma_wait3A_451] : memref<200x128xi32, #tpu.memory_space<vmem>> -> memref<1x128xi32, #tpu.memory_space<vmem>>
      %dma_wait3A_453 = tpu.memref_squeeze %dma_wait3A_452 : memref<1x128xi32, #tpu.memory_space<vmem>> -> memref<128xi32, #tpu.memory_space<vmem>>
      %dma_wait3A_454 = arith.constant 0 : i32
      %dma_wait3A_455 = arith.constant 0 : i32
      %dma_wait3A_456 = tpu.memref_slice %arg3[%dma_wait3A_454, %dma_wait3A_455] : memref<1000000x64xf32, #tpu.memory_space<hbm>> -> memref<1000000x64xf32, #tpu.memory_space<hbm>>
      tpu.wait_indirect_dma semaphore(%arg12 : memref<!tpu.dma_semaphore, #tpu.memory_space<semaphore_mem>>) src(%dma_wait3A_456 : memref<1000000x64xf32, #tpu.memory_space<hbm>>) dst(%arg8 : memref<128x64xf32, #tpu.memory_space<vmem>>)
      %broadcast_in_dim3A_457 = arith.constant 0 : i32
      %broadcast_in_dim3A_458 = vector.broadcast %broadcast_in_dim3A_457 : i32 to vector<16xi32>
      %scan3A_459 = arith.constant 0 : i32
      %scan3A_460 = arith.constant 32 : i32
      %scan3A_461 = arith.addi %scan3A_459, %scan3A_460 : i32
      %scan3A_462 = arith.constant 1 : i32
      %scan3A_463 = scf.for %scan3A_576 = %scan3A_459 to %scan3A_461 step %scan3A_462 iter_args(%scan3A_577 = %broadcast_in_dim3A_458) -> (vector<16xi32>)  : i32 {
        %add3A_578 = arith.constant 0 : i32
        %add3A_579 = vector.broadcast %add3A_578 : i32 to vector<16xi32>
        %add3A_580 = arith.addi %scan3A_577, %add3A_579 : vector<16xi32>
        %add3A_581 = arith.constant 1 : i32
        %add3A_582 = vector.broadcast %add3A_581 : i32 to vector<16xi32>
        %add3A_583 = arith.addi %scan3A_577, %add3A_582 : vector<16xi32>
        %add3A_584 = arith.constant 2 : i32
        %add3A_585 = vector.broadcast %add3A_584 : i32 to vector<16xi32>
        %add3A_586 = arith.addi %scan3A_577, %add3A_585 : vector<16xi32>
        %add3A_587 = arith.constant 3 : i32
        %add3A_588 = vector.broadcast %add3A_587 : i32 to vector<16xi32>
        %add3A_589 = arith.addi %scan3A_577, %add3A_588 : vector<16xi32>
        %mul3A_590 = arith.constant 4 : i32
        %mul3A_591 = arith.muli %mul3A_590, %scan3A_576 : i32
        %add3A_592 = arith.constant 0 : i32
        %add3A_593 = arith.addi %mul3A_591, %add3A_592 : i32
        %get3A = arith.index_cast %add3A_593 : i32 to index
        %get3A_594 = arith.constant 0 : index
        %get3A_595 = tpu.vector_load %arg8[%get3A, %get3A_594] {strides = array<i32>} : memref<128x64xf32, #tpu.memory_space<vmem>>, vector<16xf32>,
        %mul3A_596 = arith.constant 4 : i32
        %mul3A_597 = arith.muli %mul3A_596, %scan3A_576 : i32
        %add3A_598 = arith.constant 0 : i32
        %add3A_599 = arith.addi %mul3A_597, %add3A_598 : i32
        %get3A_600 = arith.index_cast %add3A_599 : i32 to index
        %get3A_601 = arith.constant 16 : index
        %get3A_602 = tpu.vector_load %arg8[%get3A_600, %get3A_601] {strides = array<i32>} : memref<128x64xf32, #tpu.memory_space<vmem>>, vector<16xf32>,
        %mul3A_603 = arith.constant 4 : i32
        %mul3A_604 = arith.muli %mul3A_603, %scan3A_576 : i32
        %add3A_605 = arith.constant 0 : i32
        %add3A_606 = arith.addi %mul3A_604, %add3A_605 : i32
        %get3A_607 = arith.index_cast %add3A_606 : i32 to index
        %get3A_608 = arith.constant 32 : index
        %get3A_609 = tpu.vector_load %arg8[%get3A_607, %get3A_608] {strides = array<i32>} : memref<128x64xf32, #tpu.memory_space<vmem>>, vector<16xf32>,
        %mul3A_610 = arith.constant 4 : i32
        %mul3A_611 = arith.muli %mul3A_610, %scan3A_576 : i32
        %add3A_612 = arith.constant 0 : i32
        %add3A_613 = arith.addi %mul3A_611, %add3A_612 : i32
        %get3A_614 = arith.index_cast %add3A_613 : i32 to index
        %get3A_615 = arith.constant 48 : index
        %get3A_616 = tpu.vector_load %arg8[%get3A_614, %get3A_615] {strides = array<i32>} : memref<128x64xf32, #tpu.memory_space<vmem>>, vector<16xf32>,
        %mul3A_617 = arith.constant 4 : i32
        %mul3A_618 = arith.muli %mul3A_617, %scan3A_576 : i32
        %add3A_619 = arith.constant 1 : i32
        %add3A_620 = arith.addi %mul3A_618, %add3A_619 : i32
        %get3A_621 = arith.index_cast %add3A_620 : i32 to index
        %get3A_622 = arith.constant 0 : index
        %get3A_623 = tpu.vector_load %arg8[%get3A_621, %get3A_622] {strides = array<i32>} : memref<128x64xf32, #tpu.memory_space<vmem>>, vector<16xf32>,
        %mul3A_624 = arith.constant 4 : i32
        %mul3A_625 = arith.muli %mul3A_624, %scan3A_576 : i32
        %add3A_626 = arith.constant 1 : i32
        %add3A_627 = arith.addi %mul3A_625, %add3A_626 : i32
        %get3A_628 = arith.index_cast %add3A_627 : i32 to index
        %get3A_629 = arith.constant 16 : index
        %get3A_630 = tpu.vector_load %arg8[%get3A_628, %get3A_629] {strides = array<i32>} : memref<128x64xf32, #tpu.memory_space<vmem>>, vector<16xf32>,
        %mul3A_631 = arith.constant 4 : i32
        %mul3A_632 = arith.muli %mul3A_631, %scan3A_576 : i32
        %add3A_633 = arith.constant 1 : i32
        %add3A_634 = arith.addi %mul3A_632, %add3A_633 : i32
        %get3A_635 = arith.index_cast %add3A_634 : i32 to index
        %get3A_636 = arith.constant 32 : index
        %get3A_637 = tpu.vector_load %arg8[%get3A_635, %get3A_636] {strides = array<i32>} : memref<128x64xf32, #tpu.memory_space<vmem>>, vector<16xf32>,
        %mul3A_638 = arith.constant 4 : i32
        %mul3A_639 = arith.muli %mul3A_638, %scan3A_576 : i32
        %add3A_640 = arith.constant 1 : i32
        %add3A_641 = arith.addi %mul3A_639, %add3A_640 : i32
        %get3A_642 = arith.index_cast %add3A_641 : i32 to index
        %get3A_643 = arith.constant 48 : index
        %get3A_644 = tpu.vector_load %arg8[%get3A_642, %get3A_643] {strides = array<i32>} : memref<128x64xf32, #tpu.memory_space<vmem>>, vector<16xf32>,
        %mul3A_645 = arith.constant 4 : i32
        %mul3A_646 = arith.muli %mul3A_645, %scan3A_576 : i32
        %add3A_647 = arith.constant 2 : i32
        %add3A_648 = arith.addi %mul3A_646, %add3A_647 : i32
        %get3A_649 = arith.index_cast %add3A_648 : i32 to index
        %get3A_650 = arith.constant 0 : index
        %get3A_651 = tpu.vector_load %arg8[%get3A_649, %get3A_650] {strides = array<i32>} : memref<128x64xf32, #tpu.memory_space<vmem>>, vector<16xf32>,
        %mul3A_652 = arith.constant 4 : i32
        %mul3A_653 = arith.muli %mul3A_652, %scan3A_576 : i32
        %add3A_654 = arith.constant 2 : i32
        %add3A_655 = arith.addi %mul3A_653, %add3A_654 : i32
        %get3A_656 = arith.index_cast %add3A_655 : i32 to index
        %get3A_657 = arith.constant 16 : index
        %get3A_658 = tpu.vector_load %arg8[%get3A_656, %get3A_657] {strides = array<i32>} : memref<128x64xf32, #tpu.memory_space<vmem>>, vector<16xf32>,
        %mul3A_659 = arith.constant 4 : i32
        %mul3A_660 = arith.muli %mul3A_659, %scan3A_576 : i32
        %add3A_661 = arith.constant 2 : i32
        %add3A_662 = arith.addi %mul3A_660, %add3A_661 : i32
        %get3A_663 = arith.index_cast %add3A_662 : i32 to index
        %get3A_664 = arith.constant 32 : index
        %get3A_665 = tpu.vector_load %arg8[%get3A_663, %get3A_664] {strides = array<i32>} : memref<128x64xf32, #tpu.memory_space<vmem>>, vector<16xf32>,
        %mul3A_666 = arith.constant 4 : i32
        %mul3A_667 = arith.muli %mul3A_666, %scan3A_576 : i32
        %add3A_668 = arith.constant 2 : i32
        %add3A_669 = arith.addi %mul3A_667, %add3A_668 : i32
        %get3A_670 = arith.index_cast %add3A_669 : i32 to index
        %get3A_671 = arith.constant 48 : index
        %get3A_672 = tpu.vector_load %arg8[%get3A_670, %get3A_671] {strides = array<i32>} : memref<128x64xf32, #tpu.memory_space<vmem>>, vector<16xf32>,
        %mul3A_673 = arith.constant 4 : i32
        %mul3A_674 = arith.muli %mul3A_673, %scan3A_576 : i32
        %add3A_675 = arith.constant 3 : i32
        %add3A_676 = arith.addi %mul3A_674, %add3A_675 : i32
        %get3A_677 = arith.index_cast %add3A_676 : i32 to index
        %get3A_678 = arith.constant 0 : index
        %get3A_679 = tpu.vector_load %arg8[%get3A_677, %get3A_678] {strides = array<i32>} : memref<128x64xf32, #tpu.memory_space<vmem>>, vector<16xf32>,
        %mul3A_680 = arith.constant 4 : i32
        %mul3A_681 = arith.muli %mul3A_680, %scan3A_576 : i32
        %add3A_682 = arith.constant 3 : i32
        %add3A_683 = arith.addi %mul3A_681, %add3A_682 : i32
        %get3A_684 = arith.index_cast %add3A_683 : i32 to index
        %get3A_685 = arith.constant 16 : index
        %get3A_686 = tpu.vector_load %arg8[%get3A_684, %get3A_685] {strides = array<i32>} : memref<128x64xf32, #tpu.memory_space<vmem>>, vector<16xf32>,
        %mul3A_687 = arith.constant 4 : i32
        %mul3A_688 = arith.muli %mul3A_687, %scan3A_576 : i32
        %add3A_689 = arith.constant 3 : i32
        %add3A_690 = arith.addi %mul3A_688, %add3A_689 : i32
        %get3A_691 = arith.index_cast %add3A_690 : i32 to index
        %get3A_692 = arith.constant 32 : index
        %get3A_693 = tpu.vector_load %arg8[%get3A_691, %get3A_692] {strides = array<i32>} : memref<128x64xf32, #tpu.memory_space<vmem>>, vector<16xf32>,
        %mul3A_694 = arith.constant 4 : i32
        %mul3A_695 = arith.muli %mul3A_694, %scan3A_576 : i32
        %add3A_696 = arith.constant 3 : i32
        %add3A_697 = arith.addi %mul3A_695, %add3A_696 : i32
        %get3A_698 = arith.index_cast %add3A_697 : i32 to index
        %get3A_699 = arith.constant 48 : index
        %get3A_700 = tpu.vector_load %arg8[%get3A_698, %get3A_699] {strides = array<i32>} : memref<128x64xf32, #tpu.memory_space<vmem>>, vector<16xf32>,
        tpu.vector_store_idx %arg10[%select_n3A, %select_n3A_154, %add3A_580], %get3A_595 : memref<8x8x129xf32, #tpu.memory_space<vmem>>[vector<16xi32>, vector<16xi32>, vector<16xi32>], vector<16xf32>,
        tpu.vector_store_idx %arg10[%select_n3A_63, %select_n3A_179, %add3A_580], %get3A_602 : memref<8x8x129xf32, #tpu.memory_space<vmem>>[vector<16xi32>, vector<16xi32>, vector<16xi32>], vector<16xf32>,
        tpu.vector_store_idx %arg10[%select_n3A_97, %select_n3A_204, %add3A_580], %get3A_609 : memref<8x8x129xf32, #tpu.memory_space<vmem>>[vector<16xi32>, vector<16xi32>, vector<16xi32>], vector<16xf32>,
        tpu.vector_store_idx %arg10[%select_n3A_131, %select_n3A_229, %add3A_580], %get3A_616 : memref<8x8x129xf32, #tpu.memory_space<vmem>>[vector<16xi32>, vector<16xi32>, vector<16xi32>], vector<16xf32>,
        tpu.vector_store_idx %arg10[%select_n3A, %select_n3A_154, %add3A_583], %get3A_623 : memref<8x8x129xf32, #tpu.memory_space<vmem>>[vector<16xi32>, vector<16xi32>, vector<16xi32>], vector<16xf32>,
        tpu.vector_store_idx %arg10[%select_n3A_63, %select_n3A_179, %add3A_583], %get3A_630 : memref<8x8x129xf32, #tpu.memory_space<vmem>>[vector<16xi32>, vector<16xi32>, vector<16xi32>], vector<16xf32>,
        tpu.vector_store_idx %arg10[%select_n3A_97, %select_n3A_204, %add3A_583], %get3A_637 : memref<8x8x129xf32, #tpu.memory_space<vmem>>[vector<16xi32>, vector<16xi32>, vector<16xi32>], vector<16xf32>,
        tpu.vector_store_idx %arg10[%select_n3A_131, %select_n3A_229, %add3A_583], %get3A_644 : memref<8x8x129xf32, #tpu.memory_space<vmem>>[vector<16xi32>, vector<16xi32>, vector<16xi32>], vector<16xf32>,
        tpu.vector_store_idx %arg10[%select_n3A, %select_n3A_154, %add3A_586], %get3A_651 : memref<8x8x129xf32, #tpu.memory_space<vmem>>[vector<16xi32>, vector<16xi32>, vector<16xi32>], vector<16xf32>,
        tpu.vector_store_idx %arg10[%select_n3A_63, %select_n3A_179, %add3A_586], %get3A_658 : memref<8x8x129xf32, #tpu.memory_space<vmem>>[vector<16xi32>, vector<16xi32>, vector<16xi32>], vector<16xf32>,
        tpu.vector_store_idx %arg10[%select_n3A_97, %select_n3A_204, %add3A_586], %get3A_665 : memref<8x8x129xf32, #tpu.memory_space<vmem>>[vector<16xi32>, vector<16xi32>, vector<16xi32>], vector<16xf32>,
        tpu.vector_store_idx %arg10[%select_n3A_131, %select_n3A_229, %add3A_586], %get3A_672 : memref<8x8x129xf32, #tpu.memory_space<vmem>>[vector<16xi32>, vector<16xi32>, vector<16xi32>], vector<16xf32>,
        tpu.vector_store_idx %arg10[%select_n3A, %select_n3A_154, %add3A_589], %get3A_679 : memref<8x8x129xf32, #tpu.memory_space<vmem>>[vector<16xi32>, vector<16xi32>, vector<16xi32>], vector<16xf32>,
        tpu.vector_store_idx %arg10[%select_n3A_63, %select_n3A_179, %add3A_589], %get3A_686 : memref<8x8x129xf32, #tpu.memory_space<vmem>>[vector<16xi32>, vector<16xi32>, vector<16xi32>], vector<16xf32>,
        tpu.vector_store_idx %arg10[%select_n3A_97, %select_n3A_204, %add3A_589], %get3A_693 : memref<8x8x129xf32, #tpu.memory_space<vmem>>[vector<16xi32>, vector<16xi32>, vector<16xi32>], vector<16xf32>,
        tpu.vector_store_idx %arg10[%select_n3A_131, %select_n3A_229, %add3A_589], %get3A_700 : memref<8x8x129xf32, #tpu.memory_space<vmem>>[vector<16xi32>, vector<16xi32>, vector<16xi32>], vector<16xf32>,
        %add3A_701 = arith.constant 4 : i32
        %add3A_702 = vector.broadcast %add3A_701 : i32 to vector<16xi32>
        %add3A_703 = arith.addi %scan3A_577, %add3A_702 : vector<16xi32>
        scf.yield %add3A_703 : vector<16xi32>
      }
      %scan3A_464 = arith.constant 32 : i32
      %jit3A_465 = arith.constant 4 : i32
      %div3A_466 = arith.divsi %add3A_445, %jit3A_465 : i32
      %sign3A_467 = arith.constant 0 : i32
      %sign3A_468 = arith.cmpi sgt, %add3A_445, %sign3A_467 : i32
      %sign3A_469 = arith.extui %sign3A_468 : i1 to i32
      %sign3A_470 = arith.constant 0 : i32
      %sign3A_471 = arith.cmpi slt, %add3A_445, %sign3A_470 : i32
      %sign3A_472 = arith.extui %sign3A_471 : i1 to i32
      %sign3A_473 = arith.subi %sign3A_469, %sign3A_472 : i32
      %sign3A_474 = arith.constant 0 : i32
      %sign3A_475 = arith.cmpi sgt, %jit3A_465, %sign3A_474 : i32
      %sign3A_476 = arith.extui %sign3A_475 : i1 to i32
      %sign3A_477 = arith.constant 0 : i32
      %sign3A_478 = arith.cmpi slt, %jit3A_465, %sign3A_477 : i32
      %sign3A_479 = arith.extui %sign3A_478 : i1 to i32
      %sign3A_480 = arith.subi %sign3A_476, %sign3A_479 : i32
      %ne3A_481 = arith.cmpi ne, %sign3A_473, %sign3A_480 : i32
      %rem3A_482 = arith.remsi %add3A_445, %jit3A_465 : i32
      %ne3A_483 = arith.constant 0 : i32
      %ne3A_484 = arith.cmpi ne, %rem3A_482, %ne3A_483 : i32
      %and3A_485 = arith.andi %ne3A_481, %ne3A_484 : i1
      %sub3A_486 = arith.constant 1 : i32
      %sub3A_487 = arith.subi %div3A_466, %sub3A_486 : i32
      %select_n3A_488 = arith.select %and3A_485, %sub3A_487, %div3A_466 : i32
      %mul3A_489 = arith.constant 4 : i32
      %mul3A_490 = arith.muli %add3A, %mul3A_489 : i32
      %jit3A_491 = arith.constant 4 : i32
      %eq3A_492 = arith.constant 0 : i32
      %eq3A_493 = arith.cmpi eq, %jit3A_491, %eq3A_492 : i32
      %jit3A_494 = arith.constant 1 : i32
      %select_n3A_495 = arith.select %eq3A_493, %jit3A_494, %jit3A_491 : i32
      %rem3A_496 = arith.remsi %add3A_445, %select_n3A_495 : i32
      %ne3A_497 = arith.constant 0 : i32
      %ne3A_498 = arith.cmpi ne, %rem3A_496, %ne3A_497 : i32
      %lt3A_499 = arith.constant 0 : i32
      %lt3A_500 = arith.cmpi slt, %rem3A_496, %lt3A_499 : i32
      %lt3A_501 = arith.constant 0 : i32
      %lt3A_502 = arith.cmpi slt, %select_n3A_495, %lt3A_501 : i32
      %ne3A_503 = arith.xori %lt3A_500, %lt3A_502 : i1
      %and3A_504 = arith.andi %ne3A_503, %ne3A_498 : i1
      %add3A_505 = arith.addi %rem3A_496, %select_n3A_495 : i32
      %select_n3A_506 = arith.select %and3A_504, %add3A_505, %rem3A_496 : i32
      %add3A_507 = arith.addi %mul3A_490, %select_n3A_506 : i32
      %jit3A_508 = arith.constant 4 : i32
      %div3A_509 = arith.divsi %add3A_445, %jit3A_508 : i32
      %sign3A_510 = arith.constant 0 : i32
      %sign3A_511 = arith.cmpi sgt, %add3A_445, %sign3A_510 : i32
      %sign3A_512 = arith.extui %sign3A_511 : i1 to i32
      %sign3A_513 = arith.constant 0 : i32
      %sign3A_514 = arith.cmpi slt, %add3A_445, %sign3A_513 : i32
      %sign3A_515 = arith.extui %sign3A_514 : i1 to i32
      %sign3A_516 = arith.subi %sign3A_512, %sign3A_515 : i32
      %sign3A_517 = arith.constant 0 : i32
      %sign3A_518 = arith.cmpi sgt, %jit3A_508, %sign3A_517 : i32
      %sign3A_519 = arith.extui %sign3A_518 : i1 to i32
      %sign3A_520 = arith.constant 0 : i32
      %sign3A_521 = arith.cmpi slt, %jit3A_508, %sign3A_520 : i32
      %sign3A_522 = arith.extui %sign3A_521 : i1 to i32
      %sign3A_523 = arith.subi %sign3A_519, %sign3A_522 : i32
      %ne3A_524 = arith.cmpi ne, %sign3A_516, %sign3A_523 : i32
      %rem3A_525 = arith.remsi %add3A_445, %jit3A_508 : i32
      %ne3A_526 = arith.constant 0 : i32
      %ne3A_527 = arith.cmpi ne, %rem3A_525, %ne3A_526 : i32
      %and3A_528 = arith.andi %ne3A_524, %ne3A_527 : i1
      %sub3A_529 = arith.constant 1 : i32
      %sub3A_530 = arith.subi %div3A_509, %sub3A_529 : i32
      %select_n3A_531 = arith.select %and3A_528, %sub3A_530, %div3A_509 : i32
      %mul3A_532 = arith.constant 4 : i32
      %mul3A_533 = arith.muli %add3A, %mul3A_532 : i32
      %jit3A_534 = arith.constant 4 : i32
      %eq3A_535 = arith.constant 0 : i32
      %eq3A_536 = arith.cmpi eq, %jit3A_534, %eq3A_535 : i32
      %jit3A_537 = arith.constant 1 : i32
      %select_n3A_538 = arith.select %eq3A_536, %jit3A_537, %jit3A_534 : i32
      %rem3A_539 = arith.remsi %add3A_445, %select_n3A_538 : i32
      %ne3A_540 = arith.constant 0 : i32
      %ne3A_541 = arith.cmpi ne, %rem3A_539, %ne3A_540 : i32
      %lt3A_542 = arith.constant 0 : i32
      %lt3A_543 = arith.cmpi slt, %rem3A_539, %lt3A_542 : i32
      %lt3A_544 = arith.constant 0 : i32
      %lt3A_545 = arith.cmpi slt, %select_n3A_538, %lt3A_544 : i32
      %ne3A_546 = arith.xori %lt3A_543, %lt3A_545 : i1
      %and3A_547 = arith.andi %ne3A_546, %ne3A_541 : i1
      %add3A_548 = arith.addi %rem3A_539, %select_n3A_538 : i32
      %select_n3A_549 = arith.select %and3A_547, %add3A_548, %rem3A_539 : i32
      %add3A_550 = arith.addi %mul3A_533, %select_n3A_549 : i32
      %dma_start3A_551 = arith.constant 0 : i32
      %dma_start3A_552 = arith.constant 0 : i32
      %dma_start3A_553 = arith.constant 0 : i32
      %dma_start3A_554 = tpu.memref_slice %arg10[%dma_start3A_551, %dma_start3A_552, %dma_start3A_553] : memref<8x8x129xf32, #tpu.memory_space<vmem>> -> memref<8x8x128xf32, #tpu.memory_space<vmem>>
      %dma_start3A_555 = arith.constant 0 : i32
      %dma_start3A_556 = arith.constant 0 : i32
      %dma_start3A_557 = arith.constant 0 : i32
      %dma_start3A_558 = tpu.memref_slice %arg4[%select_n3A_531, %dma_start3A_555, %add3A_550, %dma_start3A_556, %dma_start3A_557] : memref<50x8x128x8x128xf32, #tpu.memory_space<hbm>> -> memref<1x8x1x8x128xf32, #tpu.memory_space<hbm>>
      %dma_start3A_559 = tpu.memref_squeeze %dma_start3A_558 : memref<1x8x1x8x128xf32, #tpu.memory_space<hbm>> -> memref<8x8x128xf32, #tpu.memory_space<hbm>>
      %dma_start3A_560 = arith.constant 0 : i32
      %dma_start3A_561 = arith.constant 0 : i32
      %dma_start3A_562 = arith.constant 0 : i32
      %dma_start3A_563 = tpu.memref_slice %arg4[%select_n3A_531, %dma_start3A_560, %add3A_550, %dma_start3A_561, %dma_start3A_562] : memref<50x8x128x8x128xf32, #tpu.memory_space<hbm>> -> memref<1x8x1x8x128xf32, #tpu.memory_space<hbm>>
      %dma_start3A_564 = tpu.memref_squeeze %dma_start3A_563 : memref<1x8x1x8x128xf32, #tpu.memory_space<hbm>> -> memref<8x8x128xf32, #tpu.memory_space<hbm>>
      %dma_start3A_565 = arith.constant 0 : i32
      %dma_start3A_566 = arith.constant 0 : i32
      %dma_start3A_567 = arith.constant 0 : i32
      %dma_start3A_568 = tpu.memref_slice %arg10[%dma_start3A_565, %dma_start3A_566, %dma_start3A_567] : memref<8x8x129xf32, #tpu.memory_space<vmem>> -> memref<8x8x128xf32, #tpu.memory_space<vmem>>
      tpu.enqueue_dma source(%dma_start3A_568 : memref<8x8x128xf32, #tpu.memory_space<vmem>>) target(%dma_start3A_564 : memref<8x8x128xf32, #tpu.memory_space<hbm>>) target_semaphore(%arg14 : memref<!tpu.dma_semaphore, #tpu.memory_space<semaphore_mem>>)
      %add3A_569 = arith.constant 2 : i32
      %add3A_570 = arith.addi %add3A_445, %add3A_569 : i32
      %lt3A_571 = arith.constant 200 : i32
      %lt3A_572 = arith.cmpi slt, %add3A_570, %lt3A_571 : i32
      %convert_element_type3A_573 = arith.extui %lt3A_572 : i1 to i32
      %cond3A_574 = arith.constant 0 : i32
      %cond3A_575 = arith.cmpi ne, %convert_element_type3A_573, %cond3A_574 : i32
      scf.if %cond3A_575 {
        %add3A_576 = arith.constant 2 : i32
        %add3A_577 = arith.addi %add3A_445, %add3A_576 : i32
        %dma_start3A_578 = arith.constant 0 : i32
        %dma_start3A_579 = tpu.memref_slice %arg6[%add3A_577, %dma_start3A_578] : memref<200x128xi32, #tpu.memory_space<vmem>> -> memref<1x128xi32, #tpu.memory_space<vmem>>
        %dma_start3A_580 = tpu.memref_squeeze %dma_start3A_579 : memref<1x128xi32, #tpu.memory_space<vmem>> -> memref<128xi32, #tpu.memory_space<vmem>>
        %dma_start3A_581 = arith.constant 0 : i32
        %dma_start3A_582 = arith.constant 0 : i32
        %dma_start3A_583 = tpu.memref_slice %arg3[%dma_start3A_581, %dma_start3A_582] : memref<1000000x64xf32, #tpu.memory_space<hbm>> -> memref<1000000x64xf32, #tpu.memory_space<hbm>>
        tpu.enqueue_indirect_dma source(%dma_start3A_583 : memref<1000000x64xf32, #tpu.memory_space<hbm>>) target(%arg8 : memref<128x64xf32, #tpu.memory_space<vmem>>) offsets(%dma_start3A_580 : memref<128xi32, #tpu.memory_space<vmem>>) semaphore(%arg12 : memref<!tpu.dma_semaphore, #tpu.memory_space<semaphore_mem>>)
      } else {
      }
    }
    %scan3A_257 = arith.constant 100 : i32
    %mul3A_258 = arith.constant 4 : i32
    %mul3A_259 = arith.muli %add3A, %mul3A_258 : i32
    %add3A_260 = arith.constant 2 : i32
    %add3A_261 = arith.addi %mul3A_259, %add3A_260 : i32
    %mul3A_262 = arith.constant 4 : i32
    %mul3A_263 = arith.muli %add3A, %mul3A_262 : i32
    %add3A_264 = arith.constant 2 : i32
    %add3A_265 = arith.addi %mul3A_263, %add3A_264 : i32
    %dma_wait3A = arith.constant 49 : i32
    %dma_wait3A_266 = arith.constant 0 : i32
    %dma_wait3A_267 = arith.constant 0 : i32
    %dma_wait3A_268 = arith.constant 0 : i32
    %dma_wait3A_269 = tpu.memref_slice %arg9[%dma_wait3A_266, %dma_wait3A_267, %dma_wait3A_268] : memref<8x8x129xf32, #tpu.memory_space<vmem>> -> memref<8x8x128xf32, #tpu.memory_space<vmem>>
    %dma_wait3A_270 = arith.constant 0 : i32
    %dma_wait3A_271 = arith.constant 0 : i32
    %dma_wait3A_272 = arith.constant 0 : i32
    %dma_wait3A_273 = tpu.memref_slice %arg4[%dma_wait3A, %dma_wait3A_270, %add3A_265, %dma_wait3A_271, %dma_wait3A_272] : memref<50x8x128x8x128xf32, #tpu.memory_space<hbm>> -> memref<1x8x1x8x128xf32, #tpu.memory_space<hbm>>
    %dma_wait3A_274 = tpu.memref_squeeze %dma_wait3A_273 : memref<1x8x1x8x128xf32, #tpu.memory_space<hbm>> -> memref<8x8x128xf32, #tpu.memory_space<hbm>>
    %dma_wait3A_275 = arith.constant 0 : i32
    %dma_wait3A_276 = arith.constant 0 : i32
    %dma_wait3A_277 = arith.constant 0 : i32
    %dma_wait3A_278 = tpu.memref_slice %arg4[%dma_wait3A, %dma_wait3A_275, %add3A_265, %dma_wait3A_276, %dma_wait3A_277] : memref<50x8x128x8x128xf32, #tpu.memory_space<hbm>> -> memref<1x8x1x8x128xf32, #tpu.memory_space<hbm>>
    %dma_wait3A_279 = tpu.memref_squeeze %dma_wait3A_278 : memref<1x8x1x8x128xf32, #tpu.memory_space<hbm>> -> memref<8x8x128xf32, #tpu.memory_space<hbm>>
    %dma_wait3A_280 = arith.constant 0 : i32
    %dma_wait3A_281 = arith.constant 0 : i32
    %dma_wait3A_282 = arith.constant 0 : i32
    %dma_wait3A_283 = tpu.memref_slice %arg9[%dma_wait3A_280, %dma_wait3A_281, %dma_wait3A_282] : memref<8x8x129xf32, #tpu.memory_space<vmem>> -> memref<8x8x128xf32, #tpu.memory_space<vmem>>
    tpu.wait_dma2 semaphore(%arg13 : memref<!tpu.dma_semaphore, #tpu.memory_space<semaphore_mem>>) src(%dma_wait3A_283 : memref<8x8x128xf32, #tpu.memory_space<vmem>>) dst(%dma_wait3A_279 : memref<8x8x128xf32, #tpu.memory_space<hbm>>)
    %mul3A_284 = arith.constant 4 : i32
    %mul3A_285 = arith.muli %add3A, %mul3A_284 : i32
    %add3A_286 = arith.constant 3 : i32
    %add3A_287 = arith.addi %mul3A_285, %add3A_286 : i32
    %mul3A_288 = arith.constant 4 : i32
    %mul3A_289 = arith.muli %add3A, %mul3A_288 : i32
    %add3A_290 = arith.constant 3 : i32
    %add3A_291 = arith.addi %mul3A_289, %add3A_290 : i32
    %dma_wait3A_292 = arith.constant 49 : i32
    %dma_wait3A_293 = arith.constant 0 : i32
    %dma_wait3A_294 = arith.constant 0 : i32
    %dma_wait3A_295 = arith.constant 0 : i32
    %dma_wait3A_296 = tpu.memref_slice %arg10[%dma_wait3A_293, %dma_wait3A_294, %dma_wait3A_295] : memref<8x8x129xf32, #tpu.memory_space<vmem>> -> memref<8x8x128xf32, #tpu.memory_space<vmem>>
    %dma_wait3A_297 = arith.constant 0 : i32
    %dma_wait3A_298 = arith.constant 0 : i32
    %dma_wait3A_299 = arith.constant 0 : i32
    %dma_wait3A_300 = tpu.memref_slice %arg4[%dma_wait3A_292, %dma_wait3A_297, %add3A_291, %dma_wait3A_298, %dma_wait3A_299] : memref<50x8x128x8x128xf32, #tpu.memory_space<hbm>> -> memref<1x8x1x8x128xf32, #tpu.memory_space<hbm>>
    %dma_wait3A_301 = tpu.memref_squeeze %dma_wait3A_300 : memref<1x8x1x8x128xf32, #tpu.memory_space<hbm>> -> memref<8x8x128xf32, #tpu.memory_space<hbm>>
    %dma_wait3A_302 = arith.constant 0 : i32
    %dma_wait3A_303 = arith.constant 0 : i32
    %dma_wait3A_304 = arith.constant 0 : i32
    %dma_wait3A_305 = tpu.memref_slice %arg4[%dma_wait3A_292, %dma_wait3A_302, %add3A_291, %dma_wait3A_303, %dma_wait3A_304] : memref<50x8x128x8x128xf32, #tpu.memory_space<hbm>> -> memref<1x8x1x8x128xf32, #tpu.memory_space<hbm>>
    %dma_wait3A_306 = tpu.memref_squeeze %dma_wait3A_305 : memref<1x8x1x8x128xf32, #tpu.memory_space<hbm>> -> memref<8x8x128xf32, #tpu.memory_space<hbm>>
    %dma_wait3A_307 = arith.constant 0 : i32
    %dma_wait3A_308 = arith.constant 0 : i32
    %dma_wait3A_309 = arith.constant 0 : i32
    %dma_wait3A_310 = tpu.memref_slice %arg10[%dma_wait3A_307, %dma_wait3A_308, %dma_wait3A_309] : memref<8x8x129xf32, #tpu.memory_space<vmem>> -> memref<8x8x128xf32, #tpu.memory_space<vmem>>
    tpu.wait_dma2 semaphore(%arg14 : memref<!tpu.dma_semaphore, #tpu.memory_space<semaphore_mem>>) src(%dma_wait3A_310 : memref<8x8x128xf32, #tpu.memory_space<vmem>>) dst(%dma_wait3A_306 : memref<8x8x128xf32, #tpu.memory_space<hbm>>)
    return
  }
}

</mosaic_0001>

<sc_bundles>
// kernel: kernel.3.cloned.1.call-start
scs
__scs_entry_jumppad:
0x0: {  	(pc) =	sbr.rel $0x88, $3  }
0x1: {  	(tag) =	ssettag $0x0;
	lr =	simm.s32 $0x1  }
0x2: {  	[smem:$0x3F9F] =	sst lr;
	_ =	strace $0xD0000000  }
0x3: {  	_ = 	snop  }
0x4: {  	_ = 	snop  }
0x5: {  	_ = 	snop  }
0x6: {  	_ = 	snop  }
0x7: {  	_ = 	snop  }
__scs_overlays_trampoline_lowered:
0x8: {  	[smem:$0x3FAE] =	sst s0  }
0x9: {  	[smem:$0x3FAF] =	sst s1  }
0xa: {  	[smem:$0x3FB0] =	sst s2  }
0xb: {  	[smem:$0x3FB1] =	sst s3  }
0xc: {  	[smem:$0x3FB2] =	sst s4  }
0xd: {  	[smem:$0x3FB3] =	sst s5  }
0xe: {  	[smem:$0x3FB4] =	sst s6  }
0xf: {  	[smem:$0x3FB5] =	sst s7  }
0x10: {  	[smem:$0x3FB6] =	sst s8  }
0x11: {  	[smem:$0x3FB7] =	sst s9;
	s0 =	simm.s32 @!p0 $0x0  }
0x12: {  	s1 =	sld [smem:$0x3F9D];
	s0 =	simm.s32 @p0 $0x1  }
0x13: {  	[smem:$0x3FB8] =	sst s0;
	s0 =	simm.s32 @!p1 $0x0  }
0x14: {  	s2 =	sld [smem:$0x3F9C];
	s0 =	simm.s32 @p1 $0x1  }
0x15: {  	[smem:$0x3FB9] =	sst s0;
	s0 =	simm.s32 @!p2 $0x0  }
0x16: {  	s3 =	sld [smem:$0x3FDB];
	s0 =	simm.s32 @p2 $0x1  }
0x17: {  	s4 =	simm.s32 $0x1BF5;
	[smem:$0x3FBB] =	sst s0  }
0x18: {  	s0 =	sld [smem:$0x3F9E];
	_ =	swait.ge [sflag:s4], $0x0  }
0x19: {  	s7 =	sld [smem:$0x3F9F]  }
0x1a: {  	s8 =	sadd.s32 $0xFFFFE003, lr  }
0x1b: {  	s9 =	sadd.s32 $0xFFFFFEF7, lr;
	s5 =	simm.s32 $0xFFFFFFFF;
	p2 =	slt.u32 s8, $0xFFFFF086  }
0x1c: {  	p1 =	slt.u32 s9, $0xF7A;
	s5 =	simm.s32 @!p2 $0x0  }
0x1d: {  	s5 =	simm.s32 @p1 $0x1;
	p0 =	seq.s32 s7, s2  }
0x1e: {  	s7 =	smul.u32 @!p0 $0xF7A, s2;
	p2 =	seq.s32 @!p0 s5, $0x0  }
0x1f: {  	s9 =	smul.u32 $0xF7A, s1;
	s8 =	simm.s32 @!p0 $0x1BF5;
	p2 =	por !p2, p0  }
0x20: {  	[sflag:s8] =	ssyncset.s32 @!p0 $0xFFFFF086;
	s6 =	sadd.s32 @!p0 s3, s7;
	s7 =	simm.s32 @!p0 $0x108  }
0x21: {  	s3 =	sadd.s32 s3, s9;
	s6 =	sadd.s32 @!p0 $0x88, s6;
	s7 =	simm.s32 @p2 $0x1082  }
0x22: {  	[simem:s7], [sflag:s8] =	dma.local @!p0 [hbm:s6], $0xF7A  }
0x23: {  	s9 =	sor.u32 $0xD0000000, s2;
	s6 =	simm.s32 $0x108;
	_ =	swait.ge @!p0 [sflag:s8], $0x0  }
0x24: {  	s3 =	sadd.s32 $0x88, s3;
	s6 =	simm.s32 @!p1 $0x1082;
	[sflag:s4] =	ssyncset.s32 $0xFFFFF086  }
0x25: {  	[simem:s6], [sflag:s4] =	dma.local [hbm:s3], $0xF7A  }
0x26: {  	[smem:$0x3F9F] =	sst s1;
	(tag) =	ssettag s2;
	_ =	strace s9  }
0x27: {  	s1 =	sld [smem:$0x3FAF]  }
0x28: {  	s2 =	sld [smem:$0x3FB0]  }
0x29: {  	s4 =	sld [smem:$0x3FB2]  }
0x2a: {  	p0 =	seq.s32 s5, $0x0;
	s5 =	sld [smem:$0x3FB3]  }
0x2b: {  	s6 =	sld [smem:$0x3FB4]  }
0x2c: {  	s7 =	sld [smem:$0x3FB5]  }
0x2d: {  	s3 =	simm.s32 $0x108;
	s8 =	sld [smem:$0x3FB6]  }
0x2e: {  	s3 =	simm.s32 @!p0 $0x1082;
	s9 =	sld [smem:$0x3FB7]  }
0x2f: {  	lr =	sadd.s32 s0, s3;
	s0 =	sld [smem:$0x3FAE]  }
0x30: {  	s3 =	sld [smem:$0x3FB1]  }
0x31: {  	[smem:$0x3FBA] =	sst s10  }
0x32: {  	s10 =	sld [smem:$0x3FB8];
	_ =	sdelay $0x3  }
0x33: {  	p0 =	seq.s32 s10, $0x1;
	s10 =	sld [smem:$0x3FBA];
	_ =	sdelay $0x3  }
0x34: {  	[smem:$0x3FBA] =	sst s10  }
0x35: {  	s10 =	sld [smem:$0x3FB9];
	_ =	sdelay $0x3  }
0x36: {  	p1 =	seq.s32 s10, $0x1;
	s10 =	sld [smem:$0x3FBA];
	_ =	sdelay $0x3  }
0x37: {  	[smem:$0x3FBA] =	sst s10  }
0x38: {  	s10 =	sld [smem:$0x3FBB]  }
0x39: {  	_ = 	snop;
	(pc) =	sbr.ind lr, $3  }
0x3a: {  	_ = 	snop  }
0x3b: {  	_ = 	snop  }
0x3c: {  	p2 =	seq.s32 s10, $0x1;
	s10 =	sld [smem:$0x3FBA]  }
0x3d: {  	_ =	shalt  }
0x3e: {  	_ =	shalt  }
0x3f: {  	_ =	shalt  }
0x40: {  	_ =	shalt  }
0x41: {  	_ =	shalt  }
0x42: {  	_ =	shalt  }
0x43: {  	_ =	shalt  }
0x44: {  	_ =	shalt  }
0x45: {  	_ =	shalt  }
0x46: {  	_ =	shalt  }
0x47: {  	_ =	shalt  }
0x48: {  	_ =	shalt  }
0x49: {  	_ =	shalt  }
0x4a: {  	_ =	shalt  }
0x4b: {  	_ =	shalt  }
0x4c: {  	_ =	shalt  }
0x4d: {  	_ =	shalt  }
0x4e: {  	_ =	shalt  }
0x4f: {  	_ =	shalt  }
0x50: {  	_ =	shalt  }
0x51: {  	_ =	shalt  }
0x52: {  	_ =	shalt  }
0x53: {  	_ =	shalt  }
0x54: {  	_ =	shalt  }
0x55: {  	_ =	shalt  }
0x56: {  	_ =	shalt  }
0x57: {  	_ =	shalt  }
0x58: {  	_ =	shalt  }
0x59: {  	_ =	shalt  }
0x5a: {  	_ =	shalt  }
0x5b: {  	_ =	shalt  }
0x5c: {  	_ =	shalt  }
0x5d: {  	_ =	shalt  }
0x5e: {  	_ =	shalt  }
0x5f: {  	_ =	shalt  }
0x60: {  	_ =	shalt  }
0x61: {  	_ =	shalt  }
0x62: {  	_ =	shalt  }
0x63: {  	_ =	shalt  }
0x64: {  	_ =	shalt  }
0x65: {  	_ =	shalt  }
0x66: {  	_ =	shalt  }
0x67: {  	_ =	shalt  }
0x68: {  	_ =	shalt  }
0x69: {  	_ =	shalt  }
0x6a: {  	_ =	shalt  }
0x6b: {  	_ =	shalt  }
0x6c: {  	_ =	shalt  }
0x6d: {  	_ =	shalt  }
0x6e: {  	_ =	shalt  }
0x6f: {  	_ =	shalt  }
0x70: {  	_ =	shalt  }
0x71: {  	_ =	shalt  }
0x72: {  	_ =	shalt  }
0x73: {  	_ =	shalt  }
0x74: {  	_ =	shalt  }
0x75: {  	_ =	shalt  }
0x76: {  	_ =	shalt  }
0x77: {  	_ =	shalt  }
0x78: {  	_ =	shalt  }
0x79: {  	_ =	shalt  }
0x7a: {  	_ =	shalt  }
0x7b: {  	_ =	shalt  }
0x7c: {  	_ =	shalt  }
0x7d: {  	_ =	shalt  }
0x7e: {  	_ =	shalt  }
0x7f: {  	_ =	shalt  }
0x80: {  	_ =	shalt  }
0x81: {  	_ =	shalt  }
0x82: {  	_ =	shalt  }
0x83: {  	_ =	shalt  }
0x84: {  	_ =	shalt  }
0x85: {  	_ =	shalt  }
0x86: {  	_ =	shalt  }
0x87: {  	_ =	shalt  }
.Lfunc_end0:
.L_simem_size_0:
called_computation_lowered:
.L_overlay_start_0:
0x88: {  	s2 =	sld [smem:$0x3FD9]  }
0x89: {  	s3 =	sld [smem:$0x3FFE];
	_ =	sdelay $0x1  }
0x8a: {  	s1 =	srdreg.scid  }
0x8b: {  	s0 =	sand.u32 $0x1, s1  }
0x8c: {  	s17 =	sshll.u32 s0, $0xA;
	s2 =	sadd.s32 s3, s2  }
0x8d: {  	s2 =	sadd.s32 s2, s17  }
0x8e: {  	[smem:$0x3FC6] =	sst s2  }
0x8f: {  	_ = 	snop  }
0x90: {  	s2 =	sld [smem:$0x3FD0];
	(tm) =	ssettm $0x1  }
0x91: {  	s18 =	sld [smem:$0x3FFB];
	_ =	sdelay $0x3  }
0x92: {  	_ =	strace s18  }
0x93: {  	s3 =	sld [smem:$0x3FFC];
	_ =	sdelay $0x3  }
0x94: {  	_ =	strace s3  }
0x95: {  	s3 =	sld [smem:$0x3FFD];
	_ =	sdelay $0x3  }
0x96: {  	_ =	strace s3  }
0x97: {  	_ =	strace $0x8FFFFFFF  }
0x98: {  	s19 =	sld [smem:$0x3FDB];
	_ =	sdelay $0x1  }
0x99: {  	s4 =	simm.s32 $_scs_section_size  }
0x9a: {  	s5 =	simm.s32 $_size__tile_overlayer_lowered;
	s6 =	simm.s32 $_tile_overlayer_lowered  }
0x9b: {  	s22 =	simm.s32 $0x1BFF;
	s21 =	sshll.u32 s6, $0x1;
	s3 =	sadd.s32 s4, s19  }
0x9c: {  	s7 =	simm.s32 $0x0;
	s20 =	sshll.u32 s5, $0x1;
	s5 =	sadd.s32 s21, s3  }
0x9d: {  	[timem:s7], [sflag:s22] =	dma.local [hbm:s5], s20  }
0x9e: {  	_ =	swait.ge [sflag:s22], s20  }
0x9f: {  	s4 =	ssub.s32 $0x0, s20;
	[sflag:s22] =	ssyncset.done $0x0  }
0xa0: {  	[sflag:s22] =	ssyncadd.s32 s4;
	_ =	sdelay $0x1  }
0xa1: {  	s23 =	simm.s32 $0x1B8B  }
0xa2: {  	_ =	swait.ge [sflag:s23], $0x1  }
0xa3: {  	[sflag:s23] =	ssyncset.done $0x0  }
0xa4: {  	s25 =	simm.s32 $0x1B8E;
	s24 =	sld [smem:$0x3FFE];
	[sflag:s23] =	ssyncadd.s32 $0xFFFFFFFF  }
0xa5: {  	s26 =	simm.s32 $execute0_lowered;
	[smem:$0x3FD2] =	sst s25  }
0xa6: {  	s5 =	sshll.u32 s26, $0x1;
	_ =	strace $0x80000046;
	[dreg:$0x1] =	wrdreg $0xFFFFFFFF  }
0xa7: {  	s28 =	simm.s32 $_size_execute0_lowered;
	s3 =	sadd.s32 s3, s5;
	[dreg:$0x0] =	wrdreg $0x0  }
0xa8: {  	s5 =	sshll.u32 s28, $0x1;
	[dreg:$0x2] =	wrdreg s3  }
0xa9: {  	[dreg:$0x3] =	wrdreg s5  }
0xaa: {  	[dreg:$0x4] =	wrdreg $0xC0  }
0xab: {  	_ =	task [dreg:s7], $0x5FFFF  }
0xac: {  	[dreg:$0x1] =	wrdreg $0xFFFFFFFF  }
0xad: {  	[dreg:$0x0] =	wrdreg $0x60  }
0xae: {  	[dreg:$0x2] =	wrdreg s24  }
0xaf: {  	[dreg:$0x3] =	wrdreg s2  }
0xb0: {  	[dreg:$0x4] =	wrdreg $0x9  }
0xb1: {  	_ =	task.clear_ibuf [dreg:s7], $0x5FFFF;
	_ =	strace $0x90000046  }
0xb2: {  	s29 =	simm.s32 $0x9;
	_ =	strace $0x80000048  }
0xb3: {  	_ =	swait.ge [sflag:s29], $0x1  }
0xb4: {  	[sflag:s29] =	ssyncadd.s32 $0xFFFFFFFF  }
0xb5: {  	_ =	strace $0x90000048  }
0xb6: {  	_ =	sfence  }
0xb7: {  	s30 =	sld [smem:$0x0];
	_ =	sdelay $0x2  }
0xb8: {  	s31 =	sshll.u32 s1, $0xD;
	s1 =	sshrl.u32 s1, $0x2  }
0xb9: {  	s3 =	sand.u32 $0x4000, s31;
	s1 =	sadd.s32 s1, s30  }
0xba: {  	s0 =	sor.u32 s3, s0;
	s1 =	sshll.u32 s1, $0x11  }
0xbb: {  	s0 =	sor.u32 s1, s0  }
0xbc: {  	s0 =	sadd.s32 $0x8F2B, s0  }
0xbd: {  	[sflag:s0] =	ssyncadd.remote.s32 $0x1  }
0xbe: {  	_ =	sfence.sel $0xFFFF  }
0xbf: {  	[dreg:$0x0] =	wrdreg $0xFFFFFFFF;
	(pc) =	sbr.abs _section_cstart, $3  }
0xc0: {  	[dreg:$0x1] =	wrdreg $0xFFFFFFFF  }
0xc1: {  	_ =	task.clear_ibuf [dreg:s7], $0x2FFFF;
	_ =	strace $0x9FFFFFFF  }
0xc2: {  	(tm) =	ssettm $0x7FFFFFFF  }
0xc3: {  	_ =	shalt  }
tec
execute0_lowered:
.L_overlay_start_1:
0x0: {  	(tag) =	ssettag $0x1  }
0x1: {  	s1 =	srdreg.scid;
	s4 =	rddreg [dreg:$0x0]  }
0x2: {  	s0 =	stileid.u32;
	s2 =	rddreg [dreg:$0x1]  }
0x3: {  	s3 =	simm.s32 $0x0;
	s9 =	simm.s32 $0x80;
	s10 =	simm.s32 $0x6400  }
0x4: {  	s11 =	simm.s32 $0xC800;
	s12 =	simm.s32 $0x6480;
	s13 =	simm.s32 $0xE800  }
0x5: {  	s14 =	simm.s32 $0x1;
	s15 =	simm.s32 $0x10800;
	s16 =	simm.s32 $0x2  }
0x6: {  	s17 =	simm.s32 $0x12A00;
	s18 =	simm.s32 $0x3;
	s19 =	simm.s32 $0x4  }
0x7: {  	s20 =	simm.s32 $0x0;
	s5 =	sand.u32 $0x1, s1;
	s31 =	sshll.u32 s0, $0x1  }
.Ltmp0:
0x8: {  	s1 =	rddreg [dreg:$0x2];
	s6 =	sor.u32 s5, s31;
	(pc) =	sbr.rel .LBB2_1-.Ltmp0, $4  }
0x9: {  	v1 =	vlaneseq.u32;
	[smem:$0x7FF] =	sst s3;
	s5 =	ssub.s32 $0x2, s5;
	s7 =	smul.u32 $0xC80, s6  }
0xa: {  	v0 =	vmul.u32 $0x88, v1;
	_ =	strace $0x80000047;
	s8 =	sshrl.u32 s5, $0x1;
	s6 =	sshll.u32 s6, $0x9  }
0xb: {  	v1 =	vmul.u32 $0x32, v1;
	s8 =	ssub.s32 s5, s8;
	s7 =	sadd.s32 s7, s4;
	s4 =	sadd.s32 $0xF42A00, s4  }
0xc: {  	v2 =	vadd.s32 $0x880, v0;
	v3 =	vadd.s32 $0x1100, v0;
	v4 =	vadd.s32 $0x1980, v0;
	s5 =	sadd.s32 $0x600, s7;
	s7 =	smax.u32 s8, $0x1;
	s8 =	simm.s32 $0x5  }
.LBB2_14:
0xd: {  	s20 =	sadd.s32 $0x1, s20  }
0xe: {  	_ =	swait.ge [sflag:s18], $0x2000;
	p0 =	sne.s32 s20, s7  }
.Ltmp1:
0xf: {  	[sflag:s18] =	ssyncset.done $0x0;
	(pc) =	sbr.rel @!p0 .LBB2_15-.Ltmp1, $4  }
0x10: {  	[sflag:s18] =	ssyncadd.s32 $0xFFFFE000  }
0x11: {  	_ =	swait.ge [sflag:s19], $0x2000  }
0x12: {  	[sflag:s19] =	ssyncset.done $0x0  }
0x13: {  	[sflag:s19] =	ssyncadd.s32 $0xFFFFE000  }
.LBB2_1:
0x14: {  	s21 =	sand.u32 $0x3, s3  }
0x15: {  	s21 =	smul.u32 $0x1900, s21  }
0x16: {  	s22 =	simm.s32 $0x0  }
0x17: {  	s22 =	sor.u32 s22, s21  }
0x18: {  	v5 =	vadd.s32 s22, v1  }
0x19: {  	[tilespmem:s3], [sflag:$0x5] =	stream.linear.gather [hbm4b:s5+s3], $0x6400, $0x38;
	[tilespmem:$0x14C00] =	vst v63  }
0x1a: {  	_ =	swait.ge [sflag:s8], $0x6400  }
0x1b: {  	[sflag:s8] =	ssyncset.done $0x0  }
0x1c: {  	[sflag:s8] =	ssyncadd.s32 $0xFFFF9C00;
	s23 =	sadd.s32 $0x0, s21  }
0x1d: {  	s21 =	sadd.s32 $0x320, s23;
	v5 =	vld.idx.msk [tilespmem:v5+s3+$0x0], $0xffff  }
0x1e: {  	v6 =	vadd.s32 s21, v1;
	_ =	sdelay $0x2  }
0x1f: {  	s21 =	simm.s32 $0x6440  }
0x20: {  	[tilespmem:s21+$0xFFFFFFC0] =	vst v5  }
0x21: {  	s26 =	sadd.s32 $0x640, s23;
	v5 =	vld.idx.msk [tilespmem:v6+s3+$0x0], $0xffff  }
0x22: {  	v6 =	vadd.s32 s26, v1;
	_ =	sdelay $0x3  }
0x23: {  	[tilespmem:s21+$0xFFFFFFD0] =	vst v5  }
0x24: {  	s28 =	sadd.s32 $0x960, s23;
	v5 =	vld.idx.msk [tilespmem:v6+s3+$0x0], $0xffff  }
0x25: {  	v6 =	vadd.s32 s28, v1;
	_ =	sdelay $0x3  }
0x26: {  	[tilespmem:s21+$0xFFFFFFE0] =	vst v5  }
0x27: {  	s29 =	sadd.s32 $0xC80, s23;
	v5 =	vld.idx.msk [tilespmem:v6+s3+$0x0], $0xffff  }
0x28: {  	v6 =	vadd.s32 s29, v1;
	_ =	sdelay $0x3  }
0x29: {  	[tilespmem:s21+$0xFFFFFFF0] =	vst v5  }
0x2a: {  	s30 =	sadd.s32 $0xFA0, s23;
	v5 =	vld.idx.msk [tilespmem:v6+s3+$0x0], $0xffff  }
0x2b: {  	v6 =	vadd.s32 s30, v1;
	_ =	sdelay $0x3  }
0x2c: {  	[tilespmem:s21+$0x0] =	vst v5  }
0x2d: {  	s31 =	sadd.s32 $0x12C0, s23;
	v5 =	vld.idx.msk [tilespmem:v6+s3+$0x0], $0xffff  }
0x2e: {  	v6 =	vadd.s32 s31, v1;
	_ =	sdelay $0x3  }
0x2f: {  	[tilespmem:s21+$0x10] =	vst v5  }
0x30: {  	s23 =	sadd.s32 $0x15E0, s23;
	v5 =	vld.idx.msk [tilespmem:v6+s3+$0x0], $0xffff  }
0x31: {  	v6 =	vadd.s32 s23, v1;
	_ =	sdelay $0x1  }
0x32: {  	s22 =	simm.s32 $0x1  }
0x33: {  	s24 =	sand.u32 $0x3, s22;
	s23 =	simm.s32 $0x2  }
.LBB2_2:
0x34: {  	p0 =	sne.s32 s23, $0xC7;
	s24 =	smul.u32 $0x1900, s24;
	[tilespmem:s21+$0x20] =	vst v5  }
0x35: {  	s25 =	sshrl.u32 s22, $0x2;
	s22 =	smov.u32 s23;
	v5 =	vld.idx.msk [tilespmem:v6+s3+$0x0], $0xffff  }
0x36: {  	s26 =	sor.u32 s25, s24  }
0x37: {  	v6 =	vadd.s32 s26, v1;
	_ =	sdelay $0x3  }
0x38: {  	[tilespmem:s21+$0x30] =	vst v5  }
0x39: {  	s24 =	sadd.s32 s25, s24;
	v5 =	vld.idx.msk [tilespmem:v6+s3+$0x0], $0xffff  }
0x3a: {  	s25 =	sadd.s32 $0x320, s24  }
0x3b: {  	v6 =	vadd.s32 s25, v1;
	_ =	sdelay $0x2  }
0x3c: {  	s21 =	sadd.s32 $0x80, s21  }
0x3d: {  	[tilespmem:s21+$0xFFFFFFC0] =	vst v5  }
0x3e: {  	v5 =	vld.idx.msk [tilespmem:v6+s3+$0x0], $0xffff  }
0x3f: {  	s25 =	sadd.s32 $0x640, s24  }
0x40: {  	v6 =	vadd.s32 s25, v1;
	_ =	sdelay $0x3  }
0x41: {  	[tilespmem:s21+$0xFFFFFFD0] =	vst v5  }
0x42: {  	v5 =	vld.idx.msk [tilespmem:v6+s3+$0x0], $0xffff  }
0x43: {  	s25 =	sadd.s32 $0x960, s24  }
0x44: {  	v6 =	vadd.s32 s25, v1;
	_ =	sdelay $0x3  }
0x45: {  	[tilespmem:s21+$0xFFFFFFE0] =	vst v5  }
0x46: {  	v5 =	vld.idx.msk [tilespmem:v6+s3+$0x0], $0xffff  }
0x47: {  	s25 =	sadd.s32 $0xC80, s24  }
0x48: {  	v6 =	vadd.s32 s25, v1;
	_ =	sdelay $0x3  }
0x49: {  	[tilespmem:s21+$0xFFFFFFF0] =	vst v5  }
0x4a: {  	v5 =	vld.idx.msk [tilespmem:v6+s3+$0x0], $0xffff  }
0x4b: {  	s25 =	sadd.s32 $0xFA0, s24  }
0x4c: {  	v6 =	vadd.s32 s25, v1;
	_ =	sdelay $0x3  }
0x4d: {  	[tilespmem:s21+$0x0] =	vst v5  }
0x4e: {  	v5 =	vld.idx.msk [tilespmem:v6+s3+$0x0], $0xffff  }
0x4f: {  	s25 =	sadd.s32 $0x12C0, s24  }
0x50: {  	v6 =	vadd.s32 s25, v1;
	_ =	sdelay $0x3  }
0x51: {  	[tilespmem:s21+$0x10] =	vst v5  }
0x52: {  	v5 =	vld.idx.msk [tilespmem:v6+s3+$0x0], $0xffff  }
.Ltmp2:
0x53: {  	s24 =	sadd.s32 $0x15E0, s24;
	(pc) =	sbr.rel @p0 .LBB2_2-.Ltmp2, $2  }
0x54: {  	v6 =	vadd.s32 s24, v1;
	_ =	sdelay $0x2  }
0x55: {  	s23 =	sadd.s32 $0x1, s23;
	s24 =	sand.u32 $0x3, s22  }
0x56: {  	_ =	sdelay $0x1  }
0x57: {  	s23 =	smul.u32 $0x1900, s24  }
0x58: {  	[tilespmem:s21+$0x20] =	vst v5;
	s22 =	sshrl.u32 s22, $0x2  }
0x59: {  	v5 =	vld.idx.msk [tilespmem:v6+s3+$0x0], $0xffff;
	s24 =	sor.u32 s22, s23  }
0x5a: {  	v6 =	vadd.s32 s24, v1;
	_ =	sdelay $0x3  }
0x5b: {  	s22 =	sadd.s32 s22, s23;
	[tilespmem:s21+$0x30] =	vst v5  }
0x5c: {  	s23 =	sadd.s32 $0x320, s22;
	v5 =	vld.idx.msk [tilespmem:v6+s3+$0x0], $0xffff  }
0x5d: {  	v6 =	vadd.s32 s23, v1;
	_ =	sdelay $0x2  }
0x5e: {  	s25 =	sadd.s32 $0x80, s21  }
0x5f: {  	[tilespmem:s25+$0xFFFFFFC0] =	vst v5  }
0x60: {  	s26 =	sadd.s32 $0x640, s22;
	v5 =	vld.idx.msk [tilespmem:v6+s3+$0x0], $0xffff  }
0x61: {  	v6 =	vadd.s32 s26, v1;
	_ =	sdelay $0x3  }
0x62: {  	[tilespmem:s25+$0xFFFFFFD0] =	vst v5  }
0x63: {  	s28 =	sadd.s32 $0x960, s22;
	v5 =	vld.idx.msk [tilespmem:v6+s3+$0x0], $0xffff  }
0x64: {  	v6 =	vadd.s32 s28, v1;
	_ =	sdelay $0x3  }
0x65: {  	[tilespmem:s25+$0xFFFFFFE0] =	vst v5  }
0x66: {  	s29 =	sadd.s32 $0xC80, s22;
	v5 =	vld.idx.msk [tilespmem:v6+s3+$0x0], $0xffff  }
0x67: {  	v6 =	vadd.s32 s29, v1;
	_ =	sdelay $0x3  }
0x68: {  	[tilespmem:s25+$0xFFFFFFF0] =	vst v5  }
0x69: {  	s30 =	sadd.s32 $0xFA0, s22;
	v5 =	vld.idx.msk [tilespmem:v6+s3+$0x0], $0xffff  }
0x6a: {  	v6 =	vadd.s32 s30, v1;
	_ =	sdelay $0x3  }
0x6b: {  	[tilespmem:s25+$0x0] =	vst v5  }
0x6c: {  	s31 =	sadd.s32 $0x12C0, s22;
	v5 =	vld.idx.msk [tilespmem:v6+s3+$0x0], $0xffff  }
0x6d: {  	v6 =	vadd.s32 s31, v1;
	_ =	sdelay $0x3  }
0x6e: {  	[tilespmem:s25+$0x10] =	vst v5  }
0x6f: {  	s22 =	sadd.s32 $0x15E0, s22;
	v5 =	vld.idx.msk [tilespmem:v6+s3+$0x0], $0xffff  }
0x70: {  	v6 =	vadd.s32 s22, v1;
	_ =	sdelay $0x3  }
0x71: {  	[tilespmem:s25+$0x20] =	vst v5  }
0x72: {  	v5 =	vld.idx.msk [tilespmem:v6+s3+$0x0], $0xffff;
	_ =	sdelay $0x4  }
0x73: {  	[tilespmem:s25+$0x30] =	vst v5  }
0x74: {  	[tilespmem:s11], [sflag:$0x1] =	stream.indirect.gather [hbm4b:s4+s9], $0x40, s10, s9, $0xb8;
	[tilespmem:$0x14C00] =	vst v63  }
0x75: {  	s21 =	simm.s32 $0x0  }
0x76: {  	[tilespmem:s13], [sflag:$0x2] =	stream.indirect.gather [hbm4b:s4+s9], $0x40, s12, s9, $0xb8;
	[tilespmem:$0x14C00] =	vst v63  }
.LBB2_4:
0x77: {  	p0 =	seq.s32 s21, $0x0  }
0x78: {  	s22 =	simm.s32 @!p0 $0x3  }
0x79: {  	_ =	swait.ge @!p0 [sflag:s22], $0x2000  }
0x7a: {  	[sflag:s22] =	ssyncset.done @!p0 $0x0  }
0x7b: {  	[sflag:s22] =	ssyncadd.s32 @!p0 $0xFFFFE000  }
0x7c: {  	_ =	swait.ge [sflag:s14], $0x2000  }
0x7d: {  	[sflag:s14] =	ssyncset.done $0x0  }
0x7e: {  	s31 =	simm.s32 $0x0;
	[sflag:s14] =	ssyncadd.s32 $0xFFFFE000  }
0x7f: {  	v5 =	vld [tilespmem:s31+$0xC8F0]  }
0x80: {  	v7 =	vld [tilespmem:s31+$0xC880]  }
0x81: {  	v14 =	vld [tilespmem:s31+$0xC850]  }
0x82: {  	v15 =	vld [tilespmem:s31+$0xC870]  }
0x83: {  	v8 =	vld [tilespmem:s31+$0xC8D0]  }
0x84: {  	v10 =	vld [tilespmem:s31+$0xC8C0]  }
0x85: {  	v16 =	vld [tilespmem:s31+$0xC8A0]  }
0x86: {  	v6 =	vimm.s32 $0x0;
	v17 =	vld [tilespmem:s31+$0xC890]  }
0x87: {  	v9 =	vand.u32 $0xFFFFFFF8, v6;
	v30 =	vld [tilespmem:s31+$0xC830]  }
0x88: {  	v25 =	vand.u32 $0x4, v6;
	v26 =	vadd.s32 v0, v9;
	v27 =	vld [tilespmem:s31+$0xC820]  }
0x89: {  	v31 =	vadd.s32 v2, v9;
	v22 =	vor.u32 v25, v26;
	v23 =	vld [tilespmem:s31+$0xC800]  }
0x8a: {  	v33 =	vadd.s32 v3, v9;
	v32 =	vor.u32 v25, v31;
	v28 =	vld [tilespmem:s31+$0xC810]  }
0x8b: {  	v18 =	vor.u32 $0x3, v25;
	v34 =	vadd.s32 v4, v9;
	v35 =	vor.u32 v25, v33;
	v24 =	vld [tilespmem:s31+$0xC860]  }
0x8c: {  	v37 =	vor.u32 $0x1, v25;
	v11 =	vor.u32 v18, v26;
	v36 =	vor.u32 v25, v34;
	v29 =	vld [tilespmem:s31+$0xC840]  }
0x8d: {  	v12 =	vor.u32 v18, v31;
	v13 =	vor.u32 v18, v33;
	v21 =	vor.u32 v37, v26;
	v20 =	vld [tilespmem:s31+$0xC8B0]  }
0x8e: {  	v63 =	vor.u32 $0x2, v25;
	v9 =	vor.u32 v18, v34;
	v18 =	vld [tilespmem:s31+$0xC8E0];
	[tilespmem:v22+s15+$0x0] =	vst.idx.msk $0xffff, v23;
	v22 =	vor.u32 v37, v31  }
0x8f: {  	v19 =	vor.u32 v37, v33;
	v25 =	vor.u32 v63, v26;
	[tilespmem:v32+s15+$0x0] =	vst.idx.msk $0xffff, v28  }
0x90: {  	v26 =	vor.u32 v63, v31;
	v23 =	vor.u32 v37, v34;
	[tilespmem:v35+s15+$0x0] =	vst.idx.msk $0xffff, v27  }
0x91: {  	s23 =	simm.s32 $0x400;
	s22 =	sshll.u32 s21, $0x8;
	v28 =	vor.u32 v63, v34;
	v27 =	vor.u32 v63, v33;
	[tilespmem:v36+s15+$0x0] =	vst.idx.msk $0xffff, v30  }
.LBB2_5:
0x92: {  	p0 =	sne.s32 s23, $0x7C00;
	[tilespmem:v21+s15+$0x0] =	vst.idx.msk $0xffff, v29;
	v6 =	vadd.s32 $0x4, v6;
	s24 =	smov.u32 s23;
	s23 =	sadd.s32 $0x400, s23  }
0x93: {  	[tilespmem:v22+s15+$0x0] =	vst.idx.msk $0xffff, v14  }
0x94: {  	[tilespmem:v19+s15+$0x0] =	vst.idx.msk $0xffff, v24  }
0x95: {  	[tilespmem:v23+s15+$0x0] =	vst.idx.msk $0xffff, v15  }
0x96: {  	[tilespmem:v25+s15+$0x0] =	vst.idx.msk $0xffff, v7  }
0x97: {  	[tilespmem:v26+s15+$0x0] =	vst.idx.msk $0xffff, v17  }
0x98: {  	[tilespmem:v27+s15+$0x0] =	vst.idx.msk $0xffff, v16  }
0x99: {  	[tilespmem:v28+s15+$0x0] =	vst.idx.msk $0xffff, v20  }
0x9a: {  	[tilespmem:v11+s15+$0x0] =	vst.idx.msk $0xffff, v10  }
0x9b: {  	[tilespmem:v12+s15+$0x0] =	vst.idx.msk $0xffff, v8  }
0x9c: {  	v20 =	vand.u32 $0x4, v6;
	v8 =	vand.u32 $0xFFFFFFF8, v6;
	[tilespmem:v13+s15+$0x0] =	vst.idx.msk $0xffff, v18  }
0x9d: {  	s24 =	sshra.s32 s24, $0x2;
	v10 =	vor.u32 $0x3, v20;
	v18 =	vadd.s32 v0, v8;
	v24 =	vadd.s32 v2, v8;
	[tilespmem:v9+s15+$0x0] =	vst.idx.msk $0xffff, v5  }
0x9e: {  	v28 =	vadd.s32 v4, v8;
	v30 =	vor.u32 v20, v18;
	v11 =	vor.u32 v10, v18;
	v5 =	vld [tilespmem:s24+$0xC8F0]  }
0x9f: {  	v27 =	vadd.s32 v3, v8;
	v31 =	vor.u32 v20, v24;
	v12 =	vor.u32 v10, v24;
	v7 =	vld [tilespmem:s24+$0xC880]  }
0xa0: {  	v32 =	vor.u32 v20, v27;
	v13 =	vor.u32 v10, v27;
	v9 =	vor.u32 v10, v28;
	v14 =	vld [tilespmem:s24+$0xC850]  }
0xa1: {  	v23 =	vor.u32 $0x1, v20;
	v33 =	vor.u32 v20, v28;
	v15 =	vld [tilespmem:s24+$0xC870]  }
0xa2: {  	v21 =	vor.u32 v23, v18;
	v19 =	vor.u32 v23, v27;
	v8 =	vld [tilespmem:s24+$0xC8D0]  }
0xa3: {  	v22 =	vor.u32 v23, v24;
	v10 =	vld [tilespmem:s24+$0xC8C0]  }
0xa4: {  	v16 =	vld [tilespmem:s24+$0xC8A0]  }
0xa5: {  	v23 =	vor.u32 v23, v28;
	v20 =	vor.u32 $0x2, v20;
	v17 =	vld [tilespmem:s24+$0xC890]  }
0xa6: {  	v25 =	vor.u32 v20, v18;
	v34 =	vld [tilespmem:s24+$0xC830]  }
0xa7: {  	v26 =	vor.u32 v20, v24;
	v35 =	vld [tilespmem:s24+$0xC820]  }
0xa8: {  	v27 =	vor.u32 v20, v27;
	v36 =	vld [tilespmem:s24+$0xC810]  }
0xa9: {  	v28 =	vor.u32 v20, v28;
	v37 =	vld [tilespmem:s24+$0xC800]  }
0xaa: {  	v24 =	vld [tilespmem:s24+$0xC860]  }
0xab: {  	v29 =	vld [tilespmem:s24+$0xC840]  }
0xac: {  	v20 =	vld [tilespmem:s24+$0xC8B0]  }
.Ltmp3:
0xad: {  	v18 =	vld [tilespmem:s24+$0xC8E0];
	(pc) =	sbr.rel @p0 .LBB2_5-.Ltmp3, $4  }
0xae: {  	[tilespmem:v30+s15+$0x0] =	vst.idx.msk $0xffff, v37  }
0xaf: {  	[tilespmem:v31+s15+$0x0] =	vst.idx.msk $0xffff, v36  }
0xb0: {  	[tilespmem:v32+s15+$0x0] =	vst.idx.msk $0xffff, v35  }
0xb1: {  	[tilespmem:v33+s15+$0x0] =	vst.idx.msk $0xffff, v34  }
0xb2: {  	_ =	sdelay $0x3  }
0xb3: {  	[tilespmem:v21+s15+$0x0] =	vst.idx.msk $0xffff, v29  }
0xb4: {  	[tilespmem:v22+s15+$0x0] =	vst.idx.msk $0xffff, v14  }
0xb5: {  	[tilespmem:v19+s15+$0x0] =	vst.idx.msk $0xffff, v24  }
0xb6: {  	[tilespmem:v23+s15+$0x0] =	vst.idx.msk $0xffff, v15  }
0xb7: {  	[tilespmem:v25+s15+$0x0] =	vst.idx.msk $0xffff, v7  }
0xb8: {  	[tilespmem:v26+s15+$0x0] =	vst.idx.msk $0xffff, v17  }
0xb9: {  	[tilespmem:v27+s15+$0x0] =	vst.idx.msk $0xffff, v16  }
0xba: {  	[tilespmem:v28+s15+$0x0] =	vst.idx.msk $0xffff, v20  }
0xbb: {  	s23 =	sshll.u32 s21, $0x10;
	[tilespmem:v11+s15+$0x0] =	vst.idx.msk $0xffff, v10  }
0xbc: {  	s24 =	sand.u32 $0x100, s22;
	s23 =	sand.u32 $0x7E0000, s23;
	[tilespmem:v12+s15+$0x0] =	vst.idx.msk $0xffff, v8  }
0xbd: {  	s24 =	sor.u32 s6, s24;
	s23 =	sadd.s32 s2, s23;
	[tilespmem:v13+s15+$0x0] =	vst.idx.msk $0xffff, v18  }
0xbe: {  	s25 =	simm.s32 $0x10800;
	s23 =	sadd.s32 s24, s23;
	[tilespmem:v9+s15+$0x0] =	vst.idx.msk $0xffff, v5  }
0xbf: {  	[hbm4b:s23+s3] =	stream.linear.scatter [tilespmem:s25], [sflag:$0x3], $0x80, $0x38;
	[tilespmem:$0x14C00] =	vst v63  }
0xc0: {  	s26 =	simm.s32 $0x10888;
	s25 =	sadd.s32 $0x10, s23  }
0xc1: {  	[hbm4b:s25+s3] =	stream.linear.scatter [tilespmem:s26], [sflag:$0x3], $0x80, $0x38;
	[tilespmem:$0x14C00] =	vst v63  }
0xc2: {  	s30 =	simm.s32 $0x10910;
	s28 =	simm.s32 $0x10BB8;
	s31 =	sadd.s32 $0x20, s23  }
0xc3: {  	[hbm4b:s31+s3] =	stream.linear.scatter [tilespmem:s30], [sflag:$0x3], $0x80, $0x38;
	[tilespmem:$0x14C00] =	vst v63  }
0xc4: {  	s24 =	simm.s32 $0x440;
	s25 =	simm.s32 $0x10998;
	s26 =	sadd.s32 $0x30, s23  }
0xc5: {  	[hbm4b:s26+s3] =	stream.linear.scatter [tilespmem:s25], [sflag:$0x3], $0x80, $0x38;
	[tilespmem:$0x14C00] =	vst v63  }
0xc6: {  	s29 =	sadd.s32 $0x70, s23;
	s30 =	simm.s32 $0x10A20;
	s31 =	sadd.s32 $0x40, s23  }
0xc7: {  	[hbm4b:s31+s3] =	stream.linear.scatter [tilespmem:s30], [sflag:$0x3], $0x80, $0x38;
	[tilespmem:$0x14C00] =	vst v63  }
0xc8: {  	s25 =	simm.s32 $0x10AA8;
	s26 =	sadd.s32 $0x50, s23;
	s30 =	simm.s32 $0x10B30  }
0xc9: {  	[hbm4b:s26+s3] =	stream.linear.scatter [tilespmem:s25], [sflag:$0x3], $0x80, $0x38;
	[tilespmem:$0x14C00] =	vst v63  }
0xca: {  	s31 =	sadd.s32 $0x60, s23;
	s26 =	simm.s32 $0x2200;
	s25 =	sadd.s32 $0x4000, s23  }
0xcb: {  	[hbm4b:s31+s3] =	stream.linear.scatter [tilespmem:s30], [sflag:$0x3], $0x80, $0x38;
	[tilespmem:$0x14C00] =	vst v63  }
.LBB2_7:
0xcc: {  	[hbm4b:s29+s3] =	stream.linear.scatter [tilespmem:s28], [sflag:$0x3], $0x80, $0x38;
	[tilespmem:$0x14C00] =	vst v63  }
0xcd: {  	s28 =	smov.u32 s24;
	s24 =	smov.u32 s26  }
0xce: {  	s30 =	sadd.s32 $0x1100, s26;
	s24 =	sshra.s32 s24, $0x2;
	s29 =	sadd.s32 $0x10800, s28  }
0xcf: {  	[hbm4b:s25+s3] =	stream.linear.scatter [tilespmem:s29], [sflag:$0x3], $0x80, $0x38;
	[tilespmem:$0x14C00] =	vst v63  }
0xd0: {  	p0 =	sne.s32 s26, $0x7700;
	s26 =	sadd.s32 $0x10888, s28;
	s29 =	sadd.s32 $0x10, s25  }
0xd1: {  	[hbm4b:s29+s3] =	stream.linear.scatter [tilespmem:s26], [sflag:$0x3], $0x80, $0x38;
	[tilespmem:$0x14C00] =	vst v63  }
0xd2: {  	s26 =	sadd.s32 $0x10910, s28;
	s29 =	sadd.s32 $0x20, s25  }
0xd3: {  	[hbm4b:s29+s3] =	stream.linear.scatter [tilespmem:s26], [sflag:$0x3], $0x80, $0x38;
	[tilespmem:$0x14C00] =	vst v63  }
0xd4: {  	s26 =	sadd.s32 $0x10998, s28;
	s29 =	sadd.s32 $0x30, s25  }
0xd5: {  	[hbm4b:s29+s3] =	stream.linear.scatter [tilespmem:s26], [sflag:$0x3], $0x80, $0x38;
	[tilespmem:$0x14C00] =	vst v63  }
0xd6: {  	s26 =	sadd.s32 $0x10A20, s28;
	s29 =	sadd.s32 $0x40, s25  }
0xd7: {  	[hbm4b:s29+s3] =	stream.linear.scatter [tilespmem:s26], [sflag:$0x3], $0x80, $0x38;
	[tilespmem:$0x14C00] =	vst v63  }
.Ltmp4:
0xd8: {  	s26 =	sadd.s32 $0x10AA8, s28;
	s29 =	sadd.s32 $0x50, s25;
	(pc) =	sbr.rel @p0 .LBB2_7-.Ltmp4, $4  }
0xd9: {  	[hbm4b:s29+s3] =	stream.linear.scatter [tilespmem:s26], [sflag:$0x3], $0x80, $0x38;
	[tilespmem:$0x14C00] =	vst v63  }
0xda: {  	s26 =	sadd.s32 $0x10B30, s28;
	s29 =	sadd.s32 $0x60, s25;
	s28 =	sadd.s32 $0x10BB8, s28  }
0xdb: {  	[hbm4b:s29+s3] =	stream.linear.scatter [tilespmem:s26], [sflag:$0x3], $0x80, $0x38;
	[tilespmem:$0x14C00] =	vst v63  }
0xdc: {  	s29 =	sadd.s32 $0x70, s25;
	s25 =	sadd.s32 $0x4000, s25;
	s26 =	smov.u32 s30  }
0xdd: {  	[hbm4b:s29+s3] =	stream.linear.scatter [tilespmem:s28], [sflag:$0x3], $0x80, $0x38;
	[tilespmem:$0x14C00] =	vst v63  }
0xde: {  	s26 =	sadd.s32 $0x10800, s24  }
0xdf: {  	[hbm4b:s25+s3] =	stream.linear.scatter [tilespmem:s26], [sflag:$0x3], $0x80, $0x38;
	[tilespmem:$0x14C00] =	vst v63  }
0xe0: {  	s29 =	sadd.s32 $0x10888, s24;
	s30 =	sadd.s32 $0x10, s25  }
0xe1: {  	[hbm4b:s30+s3] =	stream.linear.scatter [tilespmem:s29], [sflag:$0x3], $0x80, $0x38;
	[tilespmem:$0x14C00] =	vst v63  }
0xe2: {  	s31 =	sadd.s32 $0x10910, s24;
	s29 =	sadd.s32 $0x20, s25  }
0xe3: {  	[hbm4b:s29+s3] =	stream.linear.scatter [tilespmem:s31], [sflag:$0x3], $0x80, $0x38;
	[tilespmem:$0x14C00] =	vst v63  }
0xe4: {  	p0 =	seq.s32 s21, $0x63;
	s30 =	sadd.s32 $0x10998, s24;
	s31 =	sadd.s32 $0x30, s25  }
0xe5: {  	[hbm4b:s31+s3] =	stream.linear.scatter [tilespmem:s30], [sflag:$0x3], $0x80, $0x38;
	[tilespmem:$0x14C00] =	vst v63  }
0xe6: {  	p1 =	seq.s32 @!p0 s21, $0x0;
	s29 =	sadd.s32 $0x10A20, s24;
	s30 =	sadd.s32 $0x40, s25  }
0xe7: {  	[hbm4b:s30+s3] =	stream.linear.scatter [tilespmem:s29], [sflag:$0x3], $0x80, $0x38;
	[tilespmem:$0x14C00] =	vst v63  }
0xe8: {  	s31 =	sadd.s32 $0x10AA8, s24;
	s29 =	sadd.s32 $0x50, s25;
	s30 =	sadd.s32 $0x10B30, s24  }
0xe9: {  	[hbm4b:s29+s3] =	stream.linear.scatter [tilespmem:s31], [sflag:$0x3], $0x80, $0x38;
	[tilespmem:$0x14C00] =	vst v63  }
0xea: {  	s31 =	sadd.s32 $0x60, s25;
	s29 =	sadd.s32 $0x10BB8, s24;
	s24 =	sshll.u32 @!p0 s21, $0x8  }
0xeb: {  	[hbm4b:s31+s3] =	stream.linear.scatter [tilespmem:s30], [sflag:$0x3], $0x80, $0x38;
	[tilespmem:$0x14C00] =	vst v63  }
0xec: {  	s26 =	simm.s32 @!p0 $0xC800;
	s24 =	sand.u32 @!p0 $0x3FFFFF00, s24;
	s30 =	sadd.s32 $0x70, s25  }
0xed: {  	[hbm4b:s30+s3] =	stream.linear.scatter [tilespmem:s29], [sflag:$0x3], $0x80, $0x38;
	[tilespmem:$0x14C00] =	vst v63  }
0xee: {  	p1 =	por p0, !p1;
	s24 =	sadd.s32 @!p0 $0x6500, s24;
	s25 =	simm.s32 @!p0 $0x80  }
0xef: {  	[tilespmem:s26], [sflag:$0x1] =	stream.indirect.gather @!p0 [hbm4b:s4+s25], $0x40, s24, s25, $0xb8;
	[tilespmem:$0x14C00] =	vst v63  }
0xf0: {  	_ =	swait.ge @p1 [sflag:s19], $0x2000  }
0xf1: {  	[sflag:s19] =	ssyncset.done @p1 $0x0  }
0xf2: {  	[sflag:s19] =	ssyncadd.s32 @p1 $0xFFFFE000  }
0xf3: {  	_ =	swait.ge [sflag:s16], $0x2000  }
0xf4: {  	[sflag:s16] =	ssyncset.done $0x0  }
0xf5: {  	s31 =	simm.s32 $0x0;
	[sflag:s16] =	ssyncadd.s32 $0xFFFFE000  }
0xf6: {  	v5 =	vld [tilespmem:s31+$0xE8F0]  }
0xf7: {  	v7 =	vld [tilespmem:s31+$0xE880]  }
0xf8: {  	v13 =	vld [tilespmem:s31+$0xE850]  }
0xf9: {  	v14 =	vld [tilespmem:s31+$0xE870]  }
0xfa: {  	v8 =	vld [tilespmem:s31+$0xE8D0]  }
0xfb: {  	v9 =	vld [tilespmem:s31+$0xE8C0]  }
0xfc: {  	v16 =	vld [tilespmem:s31+$0xE8A0]  }
0xfd: {  	v6 =	vimm.s32 $0x0;
	v17 =	vld [tilespmem:s31+$0xE890]  }
0xfe: {  	v10 =	vand.u32 $0xFFFFFFF8, v6;
	v30 =	vld [tilespmem:s31+$0xE830]  }
0xff: {  	v25 =	vand.u32 $0x4, v6;
	v26 =	vadd.s32 v0, v10;
	v27 =	vld [tilespmem:s31+$0xE820]  }
0x100: {  	v31 =	vadd.s32 v2, v10;
	v22 =	vor.u32 v25, v26;
	v23 =	vld [tilespmem:s31+$0xE800]  }
0x101: {  	v33 =	vadd.s32 v3, v10;
	v32 =	vor.u32 v25, v31;
	v28 =	vld [tilespmem:s31+$0xE810]  }
0x102: {  	v11 =	vor.u32 $0x3, v25;
	v34 =	vadd.s32 v4, v10;
	v35 =	vor.u32 v25, v33;
	v24 =	vld [tilespmem:s31+$0xE860]  }
0x103: {  	v37 =	vor.u32 $0x1, v25;
	v10 =	vor.u32 v11, v26;
	v36 =	vor.u32 v25, v34;
	v29 =	vld [tilespmem:s31+$0xE840]  }
0x104: {  	v12 =	vor.u32 v11, v31;
	v15 =	vor.u32 v11, v33;
	v21 =	vor.u32 v37, v26;
	v20 =	vld [tilespmem:s31+$0xE8B0]  }
0x105: {  	v63 =	vor.u32 $0x2, v25;
	v11 =	vor.u32 v11, v34;
	v19 =	vld [tilespmem:s31+$0xE8E0];
	[tilespmem:v22+s17+$0x0] =	vst.idx.msk $0xffff, v23;
	v22 =	vor.u32 v37, v31  }
0x106: {  	v18 =	vor.u32 v37, v33;
	v25 =	vor.u32 v63, v26;
	[tilespmem:v32+s17+$0x0] =	vst.idx.msk $0xffff, v28  }
0x107: {  	v26 =	vor.u32 v63, v31;
	v23 =	vor.u32 v37, v34;
	[tilespmem:v35+s17+$0x0] =	vst.idx.msk $0xffff, v27  }
0x108: {  	s24 =	simm.s32 $0x400;
	v28 =	vor.u32 v63, v34;
	v27 =	vor.u32 v63, v33;
	[tilespmem:v36+s17+$0x0] =	vst.idx.msk $0xffff, v30  }
.LBB2_9:
0x109: {  	p1 =	sne.s32 s24, $0x7C00;
	[tilespmem:v21+s17+$0x0] =	vst.idx.msk $0xffff, v29;
	v6 =	vadd.s32 $0x4, v6;
	s25 =	smov.u32 s24;
	s24 =	sadd.s32 $0x400, s24  }
0x10a: {  	[tilespmem:v22+s17+$0x0] =	vst.idx.msk $0xffff, v13  }
0x10b: {  	[tilespmem:v18+s17+$0x0] =	vst.idx.msk $0xffff, v24  }
0x10c: {  	[tilespmem:v23+s17+$0x0] =	vst.idx.msk $0xffff, v14  }
0x10d: {  	[tilespmem:v25+s17+$0x0] =	vst.idx.msk $0xffff, v7  }
0x10e: {  	[tilespmem:v26+s17+$0x0] =	vst.idx.msk $0xffff, v17  }
0x10f: {  	[tilespmem:v27+s17+$0x0] =	vst.idx.msk $0xffff, v16  }
0x110: {  	[tilespmem:v28+s17+$0x0] =	vst.idx.msk $0xffff, v20  }
0x111: {  	[tilespmem:v10+s17+$0x0] =	vst.idx.msk $0xffff, v9  }
0x112: {  	[tilespmem:v12+s17+$0x0] =	vst.idx.msk $0xffff, v8  }
0x113: {  	v20 =	vand.u32 $0x4, v6;
	v8 =	vand.u32 $0xFFFFFFF8, v6;
	[tilespmem:v15+s17+$0x0] =	vst.idx.msk $0xffff, v19  }
0x114: {  	s25 =	sshra.s32 s25, $0x2;
	v9 =	vor.u32 $0x3, v20;
	v19 =	vadd.s32 v0, v8;
	v24 =	vadd.s32 v2, v8;
	[tilespmem:v11+s17+$0x0] =	vst.idx.msk $0xffff, v5  }
0x115: {  	v28 =	vadd.s32 v4, v8;
	v30 =	vor.u32 v20, v19;
	v10 =	vor.u32 v9, v19;
	v5 =	vld [tilespmem:s25+$0xE8F0]  }
0x116: {  	v27 =	vadd.s32 v3, v8;
	v31 =	vor.u32 v20, v24;
	v12 =	vor.u32 v9, v24;
	v7 =	vld [tilespmem:s25+$0xE880]  }
0x117: {  	v32 =	vor.u32 v20, v27;
	v15 =	vor.u32 v9, v27;
	v11 =	vor.u32 v9, v28;
	v13 =	vld [tilespmem:s25+$0xE850]  }
0x118: {  	v23 =	vor.u32 $0x1, v20;
	v33 =	vor.u32 v20, v28;
	v14 =	vld [tilespmem:s25+$0xE870]  }
0x119: {  	v21 =	vor.u32 v23, v19;
	v18 =	vor.u32 v23, v27;
	v8 =	vld [tilespmem:s25+$0xE8D0]  }
0x11a: {  	v22 =	vor.u32 v23, v24;
	v9 =	vld [tilespmem:s25+$0xE8C0]  }
0x11b: {  	v16 =	vld [tilespmem:s25+$0xE8A0]  }
0x11c: {  	v23 =	vor.u32 v23, v28;
	v20 =	vor.u32 $0x2, v20;
	v17 =	vld [tilespmem:s25+$0xE890]  }
0x11d: {  	v25 =	vor.u32 v20, v19;
	v34 =	vld [tilespmem:s25+$0xE830]  }
0x11e: {  	v26 =	vor.u32 v20, v24;
	v35 =	vld [tilespmem:s25+$0xE820]  }
0x11f: {  	v27 =	vor.u32 v20, v27;
	v36 =	vld [tilespmem:s25+$0xE810]  }
0x120: {  	v28 =	vor.u32 v20, v28;
	v37 =	vld [tilespmem:s25+$0xE800]  }
0x121: {  	v24 =	vld [tilespmem:s25+$0xE860]  }
0x122: {  	v29 =	vld [tilespmem:s25+$0xE840]  }
0x123: {  	v20 =	vld [tilespmem:s25+$0xE8B0]  }
.Ltmp5:
0x124: {  	v19 =	vld [tilespmem:s25+$0xE8E0];
	(pc) =	sbr.rel @p1 .LBB2_9-.Ltmp5, $4  }
0x125: {  	[tilespmem:v30+s17+$0x0] =	vst.idx.msk $0xffff, v37  }
0x126: {  	[tilespmem:v31+s17+$0x0] =	vst.idx.msk $0xffff, v36  }
0x127: {  	[tilespmem:v32+s17+$0x0] =	vst.idx.msk $0xffff, v35  }
0x128: {  	[tilespmem:v33+s17+$0x0] =	vst.idx.msk $0xffff, v34  }
0x129: {  	_ =	sdelay $0x3  }
0x12a: {  	[tilespmem:v21+s17+$0x0] =	vst.idx.msk $0xffff, v29  }
0x12b: {  	[tilespmem:v22+s17+$0x0] =	vst.idx.msk $0xffff, v13  }
0x12c: {  	[tilespmem:v18+s17+$0x0] =	vst.idx.msk $0xffff, v24  }
0x12d: {  	[tilespmem:v23+s17+$0x0] =	vst.idx.msk $0xffff, v14  }
0x12e: {  	[tilespmem:v25+s17+$0x0] =	vst.idx.msk $0xffff, v7  }
0x12f: {  	[tilespmem:v26+s17+$0x0] =	vst.idx.msk $0xffff, v17  }
0x130: {  	[tilespmem:v27+s17+$0x0] =	vst.idx.msk $0xffff, v16  }
0x131: {  	[tilespmem:v28+s17+$0x0] =	vst.idx.msk $0xffff, v20  }
0x132: {  	[tilespmem:v10+s17+$0x0] =	vst.idx.msk $0xffff, v9  }
0x133: {  	[tilespmem:v12+s17+$0x0] =	vst.idx.msk $0xffff, v8  }
0x134: {  	[tilespmem:v15+s17+$0x0] =	vst.idx.msk $0xffff, v19  }
0x135: {  	s24 =	sadd.s32 $0x80, s23;
	s26 =	simm.s32 $0x12A00;
	[tilespmem:v11+s17+$0x0] =	vst.idx.msk $0xffff, v5  }
0x136: {  	[hbm4b:s24+s3] =	stream.linear.scatter [tilespmem:s26], [sflag:$0x4], $0x80, $0x38;
	[tilespmem:$0x14C00] =	vst v63  }
0x137: {  	s29 =	simm.s32 $0x12A88;
	s25 =	sadd.s32 $0x10, s24  }
0x138: {  	[hbm4b:s25+s3] =	stream.linear.scatter [tilespmem:s29], [sflag:$0x4], $0x80, $0x38;
	[tilespmem:$0x14C00] =	vst v63  }
0x139: {  	s30 =	simm.s32 $0x12B10;
	s23 =	simm.s32 $0x440;
	s31 =	sadd.s32 $0x20, s24  }
0x13a: {  	[hbm4b:s31+s3] =	stream.linear.scatter [tilespmem:s30], [sflag:$0x4], $0x80, $0x38;
	[tilespmem:$0x14C00] =	vst v63  }
0x13b: {  	s28 =	sadd.s32 $0x70, s24;
	s26 =	simm.s32 $0x12B98;
	s29 =	sadd.s32 $0x30, s24  }
0x13c: {  	[hbm4b:s29+s3] =	stream.linear.scatter [tilespmem:s26], [sflag:$0x4], $0x80, $0x38;
	[tilespmem:$0x14C00] =	vst v63  }
0x13d: {  	s25 =	simm.s32 $0x2200;
	s30 =	simm.s32 $0x12C20;
	s31 =	sadd.s32 $0x40, s24  }
0x13e: {  	[hbm4b:s31+s3] =	stream.linear.scatter [tilespmem:s30], [sflag:$0x4], $0x80, $0x38;
	[tilespmem:$0x14C00] =	vst v63  }
0x13f: {  	s26 =	simm.s32 $0x12CA8;
	s29 =	sadd.s32 $0x50, s24;
	s30 =	simm.s32 $0x12D30  }
0x140: {  	[hbm4b:s29+s3] =	stream.linear.scatter [tilespmem:s26], [sflag:$0x4], $0x80, $0x38;
	[tilespmem:$0x14C00] =	vst v63  }
0x141: {  	s31 =	sadd.s32 $0x60, s24;
	s24 =	sadd.s32 $0x4000, s24;
	s26 =	simm.s32 $0x12DB8  }
0x142: {  	[hbm4b:s31+s3] =	stream.linear.scatter [tilespmem:s30], [sflag:$0x4], $0x80, $0x38;
	[tilespmem:$0x14C00] =	vst v63  }
.LBB2_11:
0x143: {  	[hbm4b:s28+s3] =	stream.linear.scatter [tilespmem:s26], [sflag:$0x4], $0x80, $0x38;
	[tilespmem:$0x14C00] =	vst v63  }
0x144: {  	s26 =	smov.u32 s23;
	s23 =	smov.u32 s25  }
0x145: {  	s29 =	sadd.s32 $0x1100, s25;
	s23 =	sshra.s32 s23, $0x2;
	s28 =	sadd.s32 $0x12A00, s26  }
0x146: {  	[hbm4b:s24+s3] =	stream.linear.scatter [tilespmem:s28], [sflag:$0x4], $0x80, $0x38;
	[tilespmem:$0x14C00] =	vst v63  }
0x147: {  	p1 =	sne.s32 s25, $0x7700;
	s25 =	sadd.s32 $0x12A88, s26;
	s28 =	sadd.s32 $0x10, s24  }
0x148: {  	[hbm4b:s28+s3] =	stream.linear.scatter [tilespmem:s25], [sflag:$0x4], $0x80, $0x38;
	[tilespmem:$0x14C00] =	vst v63  }
0x149: {  	s25 =	sadd.s32 $0x12B10, s26;
	s28 =	sadd.s32 $0x20, s24  }
0x14a: {  	[hbm4b:s28+s3] =	stream.linear.scatter [tilespmem:s25], [sflag:$0x4], $0x80, $0x38;
	[tilespmem:$0x14C00] =	vst v63  }
0x14b: {  	s25 =	sadd.s32 $0x12B98, s26;
	s28 =	sadd.s32 $0x30, s24  }
0x14c: {  	[hbm4b:s28+s3] =	stream.linear.scatter [tilespmem:s25], [sflag:$0x4], $0x80, $0x38;
	[tilespmem:$0x14C00] =	vst v63  }
0x14d: {  	s25 =	sadd.s32 $0x12C20, s26;
	s28 =	sadd.s32 $0x40, s24  }
0x14e: {  	[hbm4b:s28+s3] =	stream.linear.scatter [tilespmem:s25], [sflag:$0x4], $0x80, $0x38;
	[tilespmem:$0x14C00] =	vst v63  }
.Ltmp6:
0x14f: {  	s25 =	sadd.s32 $0x12CA8, s26;
	s28 =	sadd.s32 $0x50, s24;
	(pc) =	sbr.rel @p1 .LBB2_11-.Ltmp6, $4  }
0x150: {  	[hbm4b:s28+s3] =	stream.linear.scatter [tilespmem:s25], [sflag:$0x4], $0x80, $0x38;
	[tilespmem:$0x14C00] =	vst v63  }
0x151: {  	s25 =	sadd.s32 $0x12D30, s26;
	s28 =	sadd.s32 $0x60, s24;
	s26 =	sadd.s32 $0x12DB8, s26  }
0x152: {  	[hbm4b:s28+s3] =	stream.linear.scatter [tilespmem:s25], [sflag:$0x4], $0x80, $0x38;
	[tilespmem:$0x14C00] =	vst v63  }
0x153: {  	s28 =	sadd.s32 $0x70, s24;
	s24 =	sadd.s32 $0x4000, s24;
	s25 =	smov.u32 s29  }
0x154: {  	[hbm4b:s28+s3] =	stream.linear.scatter [tilespmem:s26], [sflag:$0x4], $0x80, $0x38;
	[tilespmem:$0x14C00] =	vst v63  }
0x155: {  	s25 =	sadd.s32 $0x12A00, s23  }
0x156: {  	[hbm4b:s24+s3] =	stream.linear.scatter [tilespmem:s25], [sflag:$0x4], $0x80, $0x38;
	[tilespmem:$0x14C00] =	vst v63  }
0x157: {  	s30 =	sadd.s32 $0x12A88, s23;
	s31 =	sadd.s32 $0x10, s24  }
0x158: {  	[hbm4b:s31+s3] =	stream.linear.scatter [tilespmem:s30], [sflag:$0x4], $0x80, $0x38;
	[tilespmem:$0x14C00] =	vst v63  }
0x159: {  	s28 =	sadd.s32 $0x12B10, s23;
	s29 =	sadd.s32 $0x20, s24  }
0x15a: {  	[hbm4b:s29+s3] =	stream.linear.scatter [tilespmem:s28], [sflag:$0x4], $0x80, $0x38;
	[tilespmem:$0x14C00] =	vst v63  }
0x15b: {  	s30 =	sadd.s32 $0x12B98, s23;
	s31 =	sadd.s32 $0x30, s24  }
0x15c: {  	[hbm4b:s31+s3] =	stream.linear.scatter [tilespmem:s30], [sflag:$0x4], $0x80, $0x38;
	[tilespmem:$0x14C00] =	vst v63  }
0x15d: {  	s28 =	sadd.s32 $0x12C20, s23;
	s29 =	sadd.s32 $0x40, s24  }
0x15e: {  	[hbm4b:s29+s3] =	stream.linear.scatter [tilespmem:s28], [sflag:$0x4], $0x80, $0x38;
	[tilespmem:$0x14C00] =	vst v63  }
0x15f: {  	s30 =	sadd.s32 $0x12CA8, s23;
	s31 =	sadd.s32 $0x50, s24  }
0x160: {  	[hbm4b:s31+s3] =	stream.linear.scatter [tilespmem:s30], [sflag:$0x4], $0x80, $0x38;
	[tilespmem:$0x14C00] =	vst v63  }
.Ltmp7:
0x161: {  	_ = 	snop;
	(pc) =	sbr.rel @p0 .LBB2_14-.Ltmp7, $4  }
0x162: {  	s28 =	sadd.s32 $0x12D30, s23;
	s29 =	sadd.s32 $0x60, s24  }
0x163: {  	[hbm4b:s29+s3] =	stream.linear.scatter [tilespmem:s28], [sflag:$0x4], $0x80, $0x38;
	[tilespmem:$0x14C00] =	vst v63  }
0x164: {  	s30 =	sadd.s32 $0x12DB8, s23;
	s31 =	sadd.s32 $0x70, s24  }
0x165: {  	[hbm4b:s31+s3] =	stream.linear.scatter [tilespmem:s30], [sflag:$0x4], $0x80, $0x38;
	[tilespmem:$0x14C00] =	vst v63  }
.Ltmp8:
0x166: {  	(pc) =	sbr.rel .LBB2_4-.Ltmp8, $4  }
0x167: {  	_ = 	snop  }
0x168: {  	s22 =	sand.u32 $0x3FFFFF00, s22  }
0x169: {  	s21 =	sadd.s32 $0x1, s21;
	s22 =	sadd.s32 $0x6580, s22  }
0x16a: {  	[tilespmem:s13], [sflag:$0x2] =	stream.indirect.gather [hbm4b:s4+s9], $0x40, s22, s9, $0xb8;
	[tilespmem:$0x14C00] =	vst v63  }
.LBB2_15:
0x16b: {  	_ =	sfence.sel $0x180000  }
0x16c: {  	[bflag:$0x0] =	sbarrier.arrive $0xFFFF  }
0x16d: {  	p0 =	sne.s32 s0, $0x0;
	_ =	strace $0x90000047  }
0x16e: {  	s0 =	sadd.s32 @!p0 $0x100000, s1;
	[bflag:$0x2] =	sbarrier.arrive $0xFFFF  }
0x16f: {  	[sflag:s0] =	ssyncadd.tile.s32 @!p0 $0x1;
	_ =	shalt  }
.Lfunc_end2:
_tile_overlayer_lowered:
.L_overlay_start_2:
0x170: {  	(tag) =	ssettag $0x2  }
0x171: {  	s0 =	rddreg [dreg:$0x0];
	s2 =	stileid.u32  }
0x172: {  	s1 =	rddreg [dreg:$0x1];
	p0 =	sne.s32 s2, $0x0  }
0x173: {  	s3 =	rddreg [dreg:$0x2];
	[bflag:$0x3] =	sbarrier.arrive $0xFFFF;
	s2 =	simm.s32 @!p0 $0x1C05  }
0x174: {  	[timem:s3], [sflag:s2] =	dma.local @!p0 [hbm:s0], s1  }
0x175: {  	s0 =	simm.s32 @!p0 $0x5  }
0x176: {  	_ =	swait.ge @!p0 [sflag:s0], s1  }
0x177: {  	s1 =	ssub.s32 @!p0 $0x0, s1;
	[sflag:s0] =	ssyncset.done @!p0 $0x0  }
0x178: {  	[sflag:s0] =	ssyncadd.s32 @!p0 s1  }
0x179: {  	[bflag:$0x3] =	sbarrier.arrive $0xFFFF  }
0x17a: {  	_ =	shalt  }

</sc_bundles>
